<compile_context>
chip_gen: v7x
topology: tpu7x:2x2x1
jax: 0.10.2.dev20260603
libtpu: 0.0.44.dev20260713+nightly
codegen_flags: <defaults>
</compile_context>

<pallas_src>
import functools

import jax
import jax.numpy as jnp
from jax import lax
from jax.experimental import pallas as pl
from jax.experimental.pallas import tpu as pltpu
from jax.experimental.pallas import tpu_sc as plsc

_B = 16384
_GD = 32
_MD = 128
_NC, _NS = 2, 16
_NW = _NC * _NS
_BPW = _B // _NW
_CH = 128
_NCH = _BPW // _CH
_MHALF = _NCH // 2

_MESH = plsc.VectorSubcoreMesh(core_axis_name="c", subcore_axis_name="s")


def _sc_mlp_body(uidx, iidx, umlp, imlp, um_out, im_out,
                 uidx_v, iidx_v, um_v, im_v, sem):
    wid = lax.axis_index("s") * _NC + lax.axis_index("c")
    base = wid * _BPW
    pltpu.sync_copy(uidx.at[pl.ds(base, _BPW)], uidx_v)
    pltpu.sync_copy(iidx.at[pl.ds(base, _BPW)], iidx_v)
    half = _MHALF * _CH
    for h in range(2):
        cps = []
        for k in range(_MHALF):
            off = h * half + k * _CH
            cps.append(pltpu.async_copy(
                umlp.at[uidx_v.at[pl.ds(off, _CH)]],
                um_v.at[pl.ds(k * _CH, _CH)], sem))
            cps.append(pltpu.async_copy(
                imlp.at[iidx_v.at[pl.ds(off, _CH)]],
                im_v.at[pl.ds(k * _CH, _CH)], sem))
        for cp in cps:
            cp.wait()
        pltpu.sync_copy(um_v, um_out.at[pl.ds(base + h * half, half)])
        pltpu.sync_copy(im_v, im_out.at[pl.ds(base + h * half, half)])


_sc_mlp = functools.partial(
    pl.kernel,
    out_type=(
        jax.ShapeDtypeStruct((_B, _MD), jnp.float32),
        jax.ShapeDtypeStruct((_B, _MD), jnp.float32),
    ),
    mesh=_MESH,
    scratch_types=[
        pltpu.VMEM((_BPW,), jnp.int32),
        pltpu.VMEM((_BPW,), jnp.int32),
        pltpu.VMEM((_MHALF * _CH, _MD), jnp.float32),
        pltpu.VMEM((_MHALF * _CH, _MD), jnp.float32),
        pltpu.SemaphoreType.DMA,
    ],
)(_sc_mlp_body)


def _tc_mlp_body(ugT, igT, um, im, w1u, w1i, b1, w2, b2, w3, b3,
                 wfg, wfm, bf, out):
    h = jnp.dot(um[...], w1u[...], preferred_element_type=jnp.float32)
    h = h + jnp.dot(im[...], w1i[...], preferred_element_type=jnp.float32)
    h = jnp.maximum(h + b1[...], 0.0)
    h = jnp.maximum(jnp.dot(h, w2[...], preferred_element_type=jnp.float32) + b2[...], 0.0)
    h = jnp.maximum(jnp.dot(h, w3[...], preferred_element_type=jnp.float32) + b3[...], 0.0)
    g = ugT[...] * igT[...]
    gr = jnp.dot(wfg[...], g, preferred_element_type=jnp.float32)
    mr = jnp.dot(h, wfm[...], preferred_element_type=jnp.float32)
    out[...] = gr[0, :] + mr[:, 0] + bf[0, 0]


def _tc_mlp(ugT, igT, um, im, w1u, w1i, b1, w2, b2, w3, b3, wfg, wfm, bf):
    blk = 2048
    grid = (_B // blk,)
    fixed = lambda shape: pl.BlockSpec(shape, lambda i: (0,) * len(shape))
    return pl.pallas_call(
        _tc_mlp_body,
        grid=grid,
        in_specs=[
            pl.BlockSpec((_GD, blk), lambda i: (0, i)),
            pl.BlockSpec((_GD, blk), lambda i: (0, i)),
            pl.BlockSpec((blk, _MD), lambda i: (i, 0)),
            pl.BlockSpec((blk, _MD), lambda i: (i, 0)),
            fixed((_MD, _MD)),
            fixed((_MD, _MD)),
            fixed((1, _MD)),
            fixed((_MD, 64)),
            fixed((1, 64)),
            fixed((64, _GD)),
            fixed((1, _GD)),
            fixed((1, _GD)),
            fixed((_GD, 1)),
            fixed((1, 1)),
        ],
        out_specs=pl.BlockSpec((blk,), lambda i: (i,)),
        out_shape=jax.ShapeDtypeStruct((_B,), jnp.float32),
    )(ugT, igT, um, im, w1u, w1i, b1, w2, b2, w3, b3, wfg, wfm, bf)


def kernel(user_indices, item_indices, user_gmf_table, item_gmf_table,
           user_mlp_table, item_mlp_table, W1, b1, W2, b2, W3, b3, Wf, bf):
    ugT = user_gmf_table.at[user_indices].get(mode="promise_in_bounds").T
    igT = item_gmf_table.T.at[:, item_indices].get(mode="promise_in_bounds")
    um, im = _sc_mlp(user_indices, item_indices, user_mlp_table, item_mlp_table)
    w1u = W1[:, :_MD].T
    w1i = W1[:, _MD:].T
    wfg = Wf[:, :_GD]
    wfm = Wf[:, _GD:].T
    return _tc_mlp(ugT, igT, um, im, w1u, w1i, b1.reshape(1, _MD),
                   W2.T, b2.reshape(1, 64), W3.T, b3.reshape(1, _GD),
                   wfg, wfm, bf.reshape(1, 1))

# --- scband reference (transcript-rebuilt; emitter-appended) ---
"""Pipeline reference for scband-neu-mf-65369402245654 (READ-ONLY COPY).

The authoritative reference and input builder live on the scoring server;
editing this copy changes nothing except your own understanding.
"""

import jax, jax.numpy as jnp
import numpy as np

NUM_USERS = 1000000
NUM_ITEMS = 100000
NUM_FACTORS = 32
NUM_LAYERS = 3
BATCH = 16384
MLP_DIM = NUM_FACTORS * 2 ** (NUM_LAYERS - 1)  # 128


def setup_inputs(seed: int = 0) -> dict:
    key = jax.random.key(seed)
    ks = jax.random.split(key, 16)
    user_indices = jax.random.randint(ks[0], (BATCH,), 0, NUM_USERS, dtype=jnp.int64 if jax.config.jax_enable_x64 else jnp.int32).astype(jnp.int32)
    item_indices = jax.random.randint(ks[1], (BATCH,), 0, NUM_ITEMS, dtype=jnp.int32)
    user_gmf_table = jax.random.normal(ks[2], (NUM_USERS, NUM_FACTORS), dtype=jnp.float32) * 0.01
    item_gmf_table = jax.random.normal(ks[3], (NUM_ITEMS, NUM_FACTORS), dtype=jnp.float32) * 0.01
    user_mlp_table = jax.random.normal(ks[4], (NUM_USERS, MLP_DIM), dtype=jnp.float32) * 0.01
    item_mlp_table = jax.random.normal(ks[5], (NUM_ITEMS, MLP_DIM), dtype=jnp.float32) * 0.01
    # MLP layers: input sizes 256 -> 128 -> 64, outputs 128 -> 64 -> 32 (kaiming-like init)
    W1 = jax.random.normal(ks[6], (128, 256), dtype=jnp.float32) * np.sqrt(2.0 / 256)
    b1 = jnp.zeros((128,), dtype=jnp.float32)
    W2 = jax.random.normal(ks[7], (64, 128), dtype=jnp.float32) * np.sqrt(2.0 / 128)
    b2 = jnp.zeros((64,), dtype=jnp.float32)
    W3 = jax.random.normal(ks[8], (32, 64), dtype=jnp.float32) * np.sqrt(2.0 / 64)
    b3 = jnp.zeros((32,), dtype=jnp.float32)
    Wf = jax.random.normal(ks[9], (1, 64), dtype=jnp.float32) * np.sqrt(2.0 / 64)
    bf = jnp.zeros((1,), dtype=jnp.float32)
    return {
        "user_indices": user_indices,
        "item_indices": item_indices,
        "user_gmf_table": user_gmf_table,
        "item_gmf_table": item_gmf_table,
        "user_mlp_table": user_mlp_table,
        "item_mlp_table": item_mlp_table,
        "W1": W1, "b1": b1, "W2": W2, "b2": b2, "W3": W3, "b3": b3,
        "Wf": Wf, "bf": bf,
    }


def reference(user_indices, item_indices, user_gmf_table, item_gmf_table,
              user_mlp_table, item_mlp_table, W1, b1, W2, b2, W3, b3, Wf, bf):
    # GMF branch: embedding gathers + elementwise product
    user_gmf = jnp.take(user_gmf_table, user_indices, axis=0)
    item_gmf = jnp.take(item_gmf_table, item_indices, axis=0)
    gmf_vector = user_gmf * item_gmf
    # MLP branch
    user_mlp = jnp.take(user_mlp_table, user_indices, axis=0)
    item_mlp = jnp.take(item_mlp_table, item_indices, axis=0)
    mlp_vector = jnp.concatenate([user_mlp, item_mlp], axis=-1)
    mlp_vector = jax.nn.relu(mlp_vector @ W1.T + b1)
    mlp_vector = jax.nn.relu(mlp_vector @ W2.T + b2)
    mlp_vector = jax.nn.relu(mlp_vector @ W3.T + b3)
    vector = jnp.concatenate([gmf_vector, mlp_vector], axis=-1)
    rating = vector @ Wf.T + bf
    return jnp.squeeze(rating, axis=-1)

if __name__ == "__main__":
    import jax
    _d = setup_inputs()
    print(jax.jit(kernel)(*tuple(_d.values())))

</pallas_src>

<mosaic_0001>
#map = affine_map<(d0, d1) -> (0)>
#map1 = affine_map<(d0, d1) -> (0, 0)>
module attributes {stable_mosaic.version = 14 : i64} {
  func.func @_sc_mlp_body(%arg0: i32, %arg1: i32, %arg2: memref<16384xi32, #tpu.memory_space<hbm>>, %arg3: memref<16384xi32, #tpu.memory_space<hbm>>, %arg4: memref<1000000x128xf32, #tpu.memory_space<hbm>>, %arg5: memref<100000x128xf32, #tpu.memory_space<hbm>>, %arg6: memref<16384x128xf32, #tpu.memory_space<hbm>>, %arg7: memref<16384x128xf32, #tpu.memory_space<hbm>>, %arg8: memref<512xi32, #tpu.memory_space<vmem>>, %arg9: memref<512xi32, #tpu.memory_space<vmem>>, %arg10: memref<256x128xf32, #tpu.memory_space<vmem>>, %arg11: memref<256x128xf32, #tpu.memory_space<vmem>>, %arg12: memref<!tpu.dma_semaphore, #tpu.memory_space<semaphore_mem>>) attributes {dimension_semantics = [#tpu.dimension_semantics<core_parallel>, #tpu.dimension_semantics<subcore_parallel>], iteration_bounds = array<i64: 2, 16>, scalar_prefetch = 0 : i64, scratch_operands = 5 : i64, tpu.core_type = #tpu.core_type<sc_vector_subcore>, window_params = [{transform_indices = #map}, {transform_indices = #map}, {transform_indices = #map1}, {transform_indices = #map1}, {transform_indices = #map1}, {transform_indices = #map1}]} {
    %mul3A = arith.constant 2 : i32
    %mul3A_0 = arith.muli %arg1, %mul3A : i32
    %add3A = arith.addi %mul3A_0, %arg0 : i32
    %mul3A_1 = arith.constant 512 : i32
    %mul3A_2 = arith.muli %add3A, %mul3A_1 : i32
    "tpu.region"() ({
      %run_scoped3A = tpu.sem_alloc : memref<!tpu.dma_semaphore, #tpu.memory_space<semaphore_mem>>
      %dma_start3A_137 = tpu.memref_slice %arg2[%mul3A_2] : memref<16384xi32, #tpu.memory_space<hbm>> -> memref<512xi32, #tpu.memory_space<hbm>>
      %dma_start3A_138 = tpu.memref_slice %arg2[%mul3A_2] : memref<16384xi32, #tpu.memory_space<hbm>> -> memref<512xi32, #tpu.memory_space<hbm>>
      tpu.enqueue_dma source(%dma_start3A_138 : memref<512xi32, #tpu.memory_space<hbm>>) target(%arg8 : memref<512xi32, #tpu.memory_space<vmem>>) target_semaphore(%run_scoped3A : memref<!tpu.dma_semaphore, #tpu.memory_space<semaphore_mem>>)
      %dma_wait3A_139 = tpu.memref_slice %arg2[%mul3A_2] : memref<16384xi32, #tpu.memory_space<hbm>> -> memref<512xi32, #tpu.memory_space<hbm>>
      %dma_wait3A_140 = tpu.memref_slice %arg2[%mul3A_2] : memref<16384xi32, #tpu.memory_space<hbm>> -> memref<512xi32, #tpu.memory_space<hbm>>
      tpu.wait_dma2 semaphore(%run_scoped3A : memref<!tpu.dma_semaphore, #tpu.memory_space<semaphore_mem>>) src(%dma_wait3A_140 : memref<512xi32, #tpu.memory_space<hbm>>) dst(%arg8 : memref<512xi32, #tpu.memory_space<vmem>>)
      tpu.yield
    }) : () -> ()
    "tpu.region"() ({
      %run_scoped3A = tpu.sem_alloc : memref<!tpu.dma_semaphore, #tpu.memory_space<semaphore_mem>>
      %dma_start3A_137 = tpu.memref_slice %arg3[%mul3A_2] : memref<16384xi32, #tpu.memory_space<hbm>> -> memref<512xi32, #tpu.memory_space<hbm>>
      %dma_start3A_138 = tpu.memref_slice %arg3[%mul3A_2] : memref<16384xi32, #tpu.memory_space<hbm>> -> memref<512xi32, #tpu.memory_space<hbm>>
      tpu.enqueue_dma source(%dma_start3A_138 : memref<512xi32, #tpu.memory_space<hbm>>) target(%arg9 : memref<512xi32, #tpu.memory_space<vmem>>) target_semaphore(%run_scoped3A : memref<!tpu.dma_semaphore, #tpu.memory_space<semaphore_mem>>)
      %dma_wait3A_139 = tpu.memref_slice %arg3[%mul3A_2] : memref<16384xi32, #tpu.memory_space<hbm>> -> memref<512xi32, #tpu.memory_space<hbm>>
      %dma_wait3A_140 = tpu.memref_slice %arg3[%mul3A_2] : memref<16384xi32, #tpu.memory_space<hbm>> -> memref<512xi32, #tpu.memory_space<hbm>>
      tpu.wait_dma2 semaphore(%run_scoped3A : memref<!tpu.dma_semaphore, #tpu.memory_space<semaphore_mem>>) src(%dma_wait3A_140 : memref<512xi32, #tpu.memory_space<hbm>>) dst(%arg9 : memref<512xi32, #tpu.memory_space<vmem>>)
      tpu.yield
    }) : () -> ()
    %dma_start3A = arith.constant 0 : i32
    %dma_start3A_3 = arith.constant 0 : i32
    %dma_start3A_4 = tpu.memref_slice %arg10[%dma_start3A, %dma_start3A_3] : memref<256x128xf32, #tpu.memory_space<vmem>> -> memref<128x128xf32, #tpu.memory_space<vmem>>
    %dma_start3A_5 = arith.constant 0 : i32
    %dma_start3A_6 = tpu.memref_slice %arg8[%dma_start3A_5] : memref<512xi32, #tpu.memory_space<vmem>> -> memref<128xi32, #tpu.memory_space<vmem>>
    %dma_start3A_7 = arith.constant 0 : i32
    %dma_start3A_8 = arith.constant 0 : i32
    %dma_start3A_9 = tpu.memref_slice %arg4[%dma_start3A_7, %dma_start3A_8] : memref<1000000x128xf32, #tpu.memory_space<hbm>> -> memref<1000000x128xf32, #tpu.memory_space<hbm>>
    tpu.enqueue_indirect_dma source(%dma_start3A_9 : memref<1000000x128xf32, #tpu.memory_space<hbm>>) target(%dma_start3A_4 : memref<128x128xf32, #tpu.memory_space<vmem>>) offsets(%dma_start3A_6 : memref<128xi32, #tpu.memory_space<vmem>>) semaphore(%arg12 : memref<!tpu.dma_semaphore, #tpu.memory_space<semaphore_mem>>)
    %dma_start3A_10 = arith.constant 0 : i32
    %dma_start3A_11 = arith.constant 0 : i32
    %dma_start3A_12 = tpu.memref_slice %arg11[%dma_start3A_10, %dma_start3A_11] : memref<256x128xf32, #tpu.memory_space<vmem>> -> memref<128x128xf32, #tpu.memory_space<vmem>>
    %dma_start3A_13 = arith.constant 0 : i32
    %dma_start3A_14 = tpu.memref_slice %arg9[%dma_start3A_13] : memref<512xi32, #tpu.memory_space<vmem>> -> memref<128xi32, #tpu.memory_space<vmem>>
    %dma_start3A_15 = arith.constant 0 : i32
    %dma_start3A_16 = arith.constant 0 : i32
    %dma_start3A_17 = tpu.memref_slice %arg5[%dma_start3A_15, %dma_start3A_16] : memref<100000x128xf32, #tpu.memory_space<hbm>> -> memref<100000x128xf32, #tpu.memory_space<hbm>>
    tpu.enqueue_indirect_dma source(%dma_start3A_17 : memref<100000x128xf32, #tpu.memory_space<hbm>>) target(%dma_start3A_12 : memref<128x128xf32, #tpu.memory_space<vmem>>) offsets(%dma_start3A_14 : memref<128xi32, #tpu.memory_space<vmem>>) semaphore(%arg12 : memref<!tpu.dma_semaphore, #tpu.memory_space<semaphore_mem>>)
    %dma_start3A_18 = arith.constant 128 : i32
    %dma_start3A_19 = arith.constant 0 : i32
    %dma_start3A_20 = tpu.memref_slice %arg10[%dma_start3A_18, %dma_start3A_19] : memref<256x128xf32, #tpu.memory_space<vmem>> -> memref<128x128xf32, #tpu.memory_space<vmem>>
    %dma_start3A_21 = arith.constant 128 : i32
    %dma_start3A_22 = tpu.memref_slice %arg8[%dma_start3A_21] : memref<512xi32, #tpu.memory_space<vmem>> -> memref<128xi32, #tpu.memory_space<vmem>>
    %dma_start3A_23 = arith.constant 0 : i32
    %dma_start3A_24 = arith.constant 0 : i32
    %dma_start3A_25 = tpu.memref_slice %arg4[%dma_start3A_23, %dma_start3A_24] : memref<1000000x128xf32, #tpu.memory_space<hbm>> -> memref<1000000x128xf32, #tpu.memory_space<hbm>>
    tpu.enqueue_indirect_dma source(%dma_start3A_25 : memref<1000000x128xf32, #tpu.memory_space<hbm>>) target(%dma_start3A_20 : memref<128x128xf32, #tpu.memory_space<vmem>>) offsets(%dma_start3A_22 : memref<128xi32, #tpu.memory_space<vmem>>) semaphore(%arg12 : memref<!tpu.dma_semaphore, #tpu.memory_space<semaphore_mem>>)
    %dma_start3A_26 = arith.constant 128 : i32
    %dma_start3A_27 = arith.constant 0 : i32
    %dma_start3A_28 = tpu.memref_slice %arg11[%dma_start3A_26, %dma_start3A_27] : memref<256x128xf32, #tpu.memory_space<vmem>> -> memref<128x128xf32, #tpu.memory_space<vmem>>
    %dma_start3A_29 = arith.constant 128 : i32
    %dma_start3A_30 = tpu.memref_slice %arg9[%dma_start3A_29] : memref<512xi32, #tpu.memory_space<vmem>> -> memref<128xi32, #tpu.memory_space<vmem>>
    %dma_start3A_31 = arith.constant 0 : i32
    %dma_start3A_32 = arith.constant 0 : i32
    %dma_start3A_33 = tpu.memref_slice %arg5[%dma_start3A_31, %dma_start3A_32] : memref<100000x128xf32, #tpu.memory_space<hbm>> -> memref<100000x128xf32, #tpu.memory_space<hbm>>
    tpu.enqueue_indirect_dma source(%dma_start3A_33 : memref<100000x128xf32, #tpu.memory_space<hbm>>) target(%dma_start3A_28 : memref<128x128xf32, #tpu.memory_space<vmem>>) offsets(%dma_start3A_30 : memref<128xi32, #tpu.memory_space<vmem>>) semaphore(%arg12 : memref<!tpu.dma_semaphore, #tpu.memory_space<semaphore_mem>>)
    %dma_wait3A = arith.constant 0 : i32
    %dma_wait3A_34 = arith.constant 0 : i32
    %dma_wait3A_35 = tpu.memref_slice %arg10[%dma_wait3A, %dma_wait3A_34] : memref<256x128xf32, #tpu.memory_space<vmem>> -> memref<128x128xf32, #tpu.memory_space<vmem>>
    %dma_wait3A_36 = arith.constant 0 : i32
    %dma_wait3A_37 = tpu.memref_slice %arg8[%dma_wait3A_36] : memref<512xi32, #tpu.memory_space<vmem>> -> memref<128xi32, #tpu.memory_space<vmem>>
    %dma_wait3A_38 = arith.constant 0 : i32
    %dma_wait3A_39 = arith.constant 0 : i32
    %dma_wait3A_40 = tpu.memref_slice %arg4[%dma_wait3A_38, %dma_wait3A_39] : memref<1000000x128xf32, #tpu.memory_space<hbm>> -> memref<1000000x128xf32, #tpu.memory_space<hbm>>
    tpu.wait_indirect_dma semaphore(%arg12 : memref<!tpu.dma_semaphore, #tpu.memory_space<semaphore_mem>>) src(%dma_wait3A_40 : memref<1000000x128xf32, #tpu.memory_space<hbm>>) dst(%dma_wait3A_35 : memref<128x128xf32, #tpu.memory_space<vmem>>)
    %dma_wait3A_41 = arith.constant 0 : i32
    %dma_wait3A_42 = arith.constant 0 : i32
    %dma_wait3A_43 = tpu.memref_slice %arg11[%dma_wait3A_41, %dma_wait3A_42] : memref<256x128xf32, #tpu.memory_space<vmem>> -> memref<128x128xf32, #tpu.memory_space<vmem>>
    %dma_wait3A_44 = arith.constant 0 : i32
    %dma_wait3A_45 = tpu.memref_slice %arg9[%dma_wait3A_44] : memref<512xi32, #tpu.memory_space<vmem>> -> memref<128xi32, #tpu.memory_space<vmem>>
    %dma_wait3A_46 = arith.constant 0 : i32
    %dma_wait3A_47 = arith.constant 0 : i32
    %dma_wait3A_48 = tpu.memref_slice %arg5[%dma_wait3A_46, %dma_wait3A_47] : memref<100000x128xf32, #tpu.memory_space<hbm>> -> memref<100000x128xf32, #tpu.memory_space<hbm>>
    tpu.wait_indirect_dma semaphore(%arg12 : memref<!tpu.dma_semaphore, #tpu.memory_space<semaphore_mem>>) src(%dma_wait3A_48 : memref<100000x128xf32, #tpu.memory_space<hbm>>) dst(%dma_wait3A_43 : memref<128x128xf32, #tpu.memory_space<vmem>>)
    %dma_wait3A_49 = arith.constant 128 : i32
    %dma_wait3A_50 = arith.constant 0 : i32
    %dma_wait3A_51 = tpu.memref_slice %arg10[%dma_wait3A_49, %dma_wait3A_50] : memref<256x128xf32, #tpu.memory_space<vmem>> -> memref<128x128xf32, #tpu.memory_space<vmem>>
    %dma_wait3A_52 = arith.constant 128 : i32
    %dma_wait3A_53 = tpu.memref_slice %arg8[%dma_wait3A_52] : memref<512xi32, #tpu.memory_space<vmem>> -> memref<128xi32, #tpu.memory_space<vmem>>
    %dma_wait3A_54 = arith.constant 0 : i32
    %dma_wait3A_55 = arith.constant 0 : i32
    %dma_wait3A_56 = tpu.memref_slice %arg4[%dma_wait3A_54, %dma_wait3A_55] : memref<1000000x128xf32, #tpu.memory_space<hbm>> -> memref<1000000x128xf32, #tpu.memory_space<hbm>>
    tpu.wait_indirect_dma semaphore(%arg12 : memref<!tpu.dma_semaphore, #tpu.memory_space<semaphore_mem>>) src(%dma_wait3A_56 : memref<1000000x128xf32, #tpu.memory_space<hbm>>) dst(%dma_wait3A_51 : memref<128x128xf32, #tpu.memory_space<vmem>>)
    %dma_wait3A_57 = arith.constant 128 : i32
    %dma_wait3A_58 = arith.constant 0 : i32
    %dma_wait3A_59 = tpu.memref_slice %arg11[%dma_wait3A_57, %dma_wait3A_58] : memref<256x128xf32, #tpu.memory_space<vmem>> -> memref<128x128xf32, #tpu.memory_space<vmem>>
    %dma_wait3A_60 = arith.constant 128 : i32
    %dma_wait3A_61 = tpu.memref_slice %arg9[%dma_wait3A_60] : memref<512xi32, #tpu.memory_space<vmem>> -> memref<128xi32, #tpu.memory_space<vmem>>
    %dma_wait3A_62 = arith.constant 0 : i32
    %dma_wait3A_63 = arith.constant 0 : i32
    %dma_wait3A_64 = tpu.memref_slice %arg5[%dma_wait3A_62, %dma_wait3A_63] : memref<100000x128xf32, #tpu.memory_space<hbm>> -> memref<100000x128xf32, #tpu.memory_space<hbm>>
    tpu.wait_indirect_dma semaphore(%arg12 : memref<!tpu.dma_semaphore, #tpu.memory_space<semaphore_mem>>) src(%dma_wait3A_64 : memref<100000x128xf32, #tpu.memory_space<hbm>>) dst(%dma_wait3A_59 : memref<128x128xf32, #tpu.memory_space<vmem>>)
    %add3A_65 = arith.constant 0 : i32
    %add3A_66 = arith.addi %mul3A_2, %add3A_65 : i32
    "tpu.region"() ({
      %run_scoped3A = tpu.sem_alloc : memref<!tpu.dma_semaphore, #tpu.memory_space<semaphore_mem>>
      %dma_start3A_137 = arith.constant 0 : i32
      %dma_start3A_138 = tpu.memref_slice %arg6[%add3A_66, %dma_start3A_137] : memref<16384x128xf32, #tpu.memory_space<hbm>> -> memref<256x128xf32, #tpu.memory_space<hbm>>
      %dma_start3A_139 = arith.constant 0 : i32
      %dma_start3A_140 = tpu.memref_slice %arg6[%add3A_66, %dma_start3A_139] : memref<16384x128xf32, #tpu.memory_space<hbm>> -> memref<256x128xf32, #tpu.memory_space<hbm>>
      tpu.enqueue_dma source(%arg10 : memref<256x128xf32, #tpu.memory_space<vmem>>) target(%dma_start3A_140 : memref<256x128xf32, #tpu.memory_space<hbm>>) target_semaphore(%run_scoped3A : memref<!tpu.dma_semaphore, #tpu.memory_space<semaphore_mem>>)
      %dma_wait3A_141 = arith.constant 0 : i32
      %dma_wait3A_142 = tpu.memref_slice %arg6[%add3A_66, %dma_wait3A_141] : memref<16384x128xf32, #tpu.memory_space<hbm>> -> memref<256x128xf32, #tpu.memory_space<hbm>>
      %dma_wait3A_143 = arith.constant 0 : i32
      %dma_wait3A_144 = tpu.memref_slice %arg6[%add3A_66, %dma_wait3A_143] : memref<16384x128xf32, #tpu.memory_space<hbm>> -> memref<256x128xf32, #tpu.memory_space<hbm>>
      tpu.wait_dma2 semaphore(%run_scoped3A : memref<!tpu.dma_semaphore, #tpu.memory_space<semaphore_mem>>) src(%arg10 : memref<256x128xf32, #tpu.memory_space<vmem>>) dst(%dma_wait3A_144 : memref<256x128xf32, #tpu.memory_space<hbm>>)
      tpu.yield
    }) : () -> ()
    %add3A_67 = arith.constant 0 : i32
    %add3A_68 = arith.addi %mul3A_2, %add3A_67 : i32
    "tpu.region"() ({
      %run_scoped3A = tpu.sem_alloc : memref<!tpu.dma_semaphore, #tpu.memory_space<semaphore_mem>>
      %dma_start3A_137 = arith.constant 0 : i32
      %dma_start3A_138 = tpu.memref_slice %arg7[%add3A_68, %dma_start3A_137] : memref<16384x128xf32, #tpu.memory_space<hbm>> -> memref<256x128xf32, #tpu.memory_space<hbm>>
      %dma_start3A_139 = arith.constant 0 : i32
      %dma_start3A_140 = tpu.memref_slice %arg7[%add3A_68, %dma_start3A_139] : memref<16384x128xf32, #tpu.memory_space<hbm>> -> memref<256x128xf32, #tpu.memory_space<hbm>>
      tpu.enqueue_dma source(%arg11 : memref<256x128xf32, #tpu.memory_space<vmem>>) target(%dma_start3A_140 : memref<256x128xf32, #tpu.memory_space<hbm>>) target_semaphore(%run_scoped3A : memref<!tpu.dma_semaphore, #tpu.memory_space<semaphore_mem>>)
      %dma_wait3A_141 = arith.constant 0 : i32
      %dma_wait3A_142 = tpu.memref_slice %arg7[%add3A_68, %dma_wait3A_141] : memref<16384x128xf32, #tpu.memory_space<hbm>> -> memref<256x128xf32, #tpu.memory_space<hbm>>
      %dma_wait3A_143 = arith.constant 0 : i32
      %dma_wait3A_144 = tpu.memref_slice %arg7[%add3A_68, %dma_wait3A_143] : memref<16384x128xf32, #tpu.memory_space<hbm>> -> memref<256x128xf32, #tpu.memory_space<hbm>>
      tpu.wait_dma2 semaphore(%run_scoped3A : memref<!tpu.dma_semaphore, #tpu.memory_space<semaphore_mem>>) src(%arg11 : memref<256x128xf32, #tpu.memory_space<vmem>>) dst(%dma_wait3A_144 : memref<256x128xf32, #tpu.memory_space<hbm>>)
      tpu.yield
    }) : () -> ()
    %dma_start3A_69 = arith.constant 0 : i32
    %dma_start3A_70 = arith.constant 0 : i32
    %dma_start3A_71 = tpu.memref_slice %arg10[%dma_start3A_69, %dma_start3A_70] : memref<256x128xf32, #tpu.memory_space<vmem>> -> memref<128x128xf32, #tpu.memory_space<vmem>>
    %dma_start3A_72 = arith.constant 256 : i32
    %dma_start3A_73 = tpu.memref_slice %arg8[%dma_start3A_72] : memref<512xi32, #tpu.memory_space<vmem>> -> memref<128xi32, #tpu.memory_space<vmem>>
    %dma_start3A_74 = arith.constant 0 : i32
    %dma_start3A_75 = arith.constant 0 : i32
    %dma_start3A_76 = tpu.memref_slice %arg4[%dma_start3A_74, %dma_start3A_75] : memref<1000000x128xf32, #tpu.memory_space<hbm>> -> memref<1000000x128xf32, #tpu.memory_space<hbm>>
    tpu.enqueue_indirect_dma source(%dma_start3A_76 : memref<1000000x128xf32, #tpu.memory_space<hbm>>) target(%dma_start3A_71 : memref<128x128xf32, #tpu.memory_space<vmem>>) offsets(%dma_start3A_73 : memref<128xi32, #tpu.memory_space<vmem>>) semaphore(%arg12 : memref<!tpu.dma_semaphore, #tpu.memory_space<semaphore_mem>>)
    %dma_start3A_77 = arith.constant 0 : i32
    %dma_start3A_78 = arith.constant 0 : i32
    %dma_start3A_79 = tpu.memref_slice %arg11[%dma_start3A_77, %dma_start3A_78] : memref<256x128xf32, #tpu.memory_space<vmem>> -> memref<128x128xf32, #tpu.memory_space<vmem>>
    %dma_start3A_80 = arith.constant 256 : i32
    %dma_start3A_81 = tpu.memref_slice %arg9[%dma_start3A_80] : memref<512xi32, #tpu.memory_space<vmem>> -> memref<128xi32, #tpu.memory_space<vmem>>
    %dma_start3A_82 = arith.constant 0 : i32
    %dma_start3A_83 = arith.constant 0 : i32
    %dma_start3A_84 = tpu.memref_slice %arg5[%dma_start3A_82, %dma_start3A_83] : memref<100000x128xf32, #tpu.memory_space<hbm>> -> memref<100000x128xf32, #tpu.memory_space<hbm>>
    tpu.enqueue_indirect_dma source(%dma_start3A_84 : memref<100000x128xf32, #tpu.memory_space<hbm>>) target(%dma_start3A_79 : memref<128x128xf32, #tpu.memory_space<vmem>>) offsets(%dma_start3A_81 : memref<128xi32, #tpu.memory_space<vmem>>) semaphore(%arg12 : memref<!tpu.dma_semaphore, #tpu.memory_space<semaphore_mem>>)
    %dma_start3A_85 = arith.constant 128 : i32
    %dma_start3A_86 = arith.constant 0 : i32
    %dma_start3A_87 = tpu.memref_slice %arg10[%dma_start3A_85, %dma_start3A_86] : memref<256x128xf32, #tpu.memory_space<vmem>> -> memref<128x128xf32, #tpu.memory_space<vmem>>
    %dma_start3A_88 = arith.constant 384 : i32
    %dma_start3A_89 = tpu.memref_slice %arg8[%dma_start3A_88] : memref<512xi32, #tpu.memory_space<vmem>> -> memref<128xi32, #tpu.memory_space<vmem>>
    %dma_start3A_90 = arith.constant 0 : i32
    %dma_start3A_91 = arith.constant 0 : i32
    %dma_start3A_92 = tpu.memref_slice %arg4[%dma_start3A_90, %dma_start3A_91] : memref<1000000x128xf32, #tpu.memory_space<hbm>> -> memref<1000000x128xf32, #tpu.memory_space<hbm>>
    tpu.enqueue_indirect_dma source(%dma_start3A_92 : memref<1000000x128xf32, #tpu.memory_space<hbm>>) target(%dma_start3A_87 : memref<128x128xf32, #tpu.memory_space<vmem>>) offsets(%dma_start3A_89 : memref<128xi32, #tpu.memory_space<vmem>>) semaphore(%arg12 : memref<!tpu.dma_semaphore, #tpu.memory_space<semaphore_mem>>)
    %dma_start3A_93 = arith.constant 128 : i32
    %dma_start3A_94 = arith.constant 0 : i32
    %dma_start3A_95 = tpu.memref_slice %arg11[%dma_start3A_93, %dma_start3A_94] : memref<256x128xf32, #tpu.memory_space<vmem>> -> memref<128x128xf32, #tpu.memory_space<vmem>>
    %dma_start3A_96 = arith.constant 384 : i32
    %dma_start3A_97 = tpu.memref_slice %arg9[%dma_start3A_96] : memref<512xi32, #tpu.memory_space<vmem>> -> memref<128xi32, #tpu.memory_space<vmem>>
    %dma_start3A_98 = arith.constant 0 : i32
    %dma_start3A_99 = arith.constant 0 : i32
    %dma_start3A_100 = tpu.memref_slice %arg5[%dma_start3A_98, %dma_start3A_99] : memref<100000x128xf32, #tpu.memory_space<hbm>> -> memref<100000x128xf32, #tpu.memory_space<hbm>>
    tpu.enqueue_indirect_dma source(%dma_start3A_100 : memref<100000x128xf32, #tpu.memory_space<hbm>>) target(%dma_start3A_95 : memref<128x128xf32, #tpu.memory_space<vmem>>) offsets(%dma_start3A_97 : memref<128xi32, #tpu.memory_space<vmem>>) semaphore(%arg12 : memref<!tpu.dma_semaphore, #tpu.memory_space<semaphore_mem>>)
    %dma_wait3A_101 = arith.constant 0 : i32
    %dma_wait3A_102 = arith.constant 0 : i32
    %dma_wait3A_103 = tpu.memref_slice %arg10[%dma_wait3A_101, %dma_wait3A_102] : memref<256x128xf32, #tpu.memory_space<vmem>> -> memref<128x128xf32, #tpu.memory_space<vmem>>
    %dma_wait3A_104 = arith.constant 256 : i32
    %dma_wait3A_105 = tpu.memref_slice %arg8[%dma_wait3A_104] : memref<512xi32, #tpu.memory_space<vmem>> -> memref<128xi32, #tpu.memory_space<vmem>>
    %dma_wait3A_106 = arith.constant 0 : i32
    %dma_wait3A_107 = arith.constant 0 : i32
    %dma_wait3A_108 = tpu.memref_slice %arg4[%dma_wait3A_106, %dma_wait3A_107] : memref<1000000x128xf32, #tpu.memory_space<hbm>> -> memref<1000000x128xf32, #tpu.memory_space<hbm>>
    tpu.wait_indirect_dma semaphore(%arg12 : memref<!tpu.dma_semaphore, #tpu.memory_space<semaphore_mem>>) src(%dma_wait3A_108 : memref<1000000x128xf32, #tpu.memory_space<hbm>>) dst(%dma_wait3A_103 : memref<128x128xf32, #tpu.memory_space<vmem>>)
    %dma_wait3A_109 = arith.constant 0 : i32
    %dma_wait3A_110 = arith.constant 0 : i32
    %dma_wait3A_111 = tpu.memref_slice %arg11[%dma_wait3A_109, %dma_wait3A_110] : memref<256x128xf32, #tpu.memory_space<vmem>> -> memref<128x128xf32, #tpu.memory_space<vmem>>
    %dma_wait3A_112 = arith.constant 256 : i32
    %dma_wait3A_113 = tpu.memref_slice %arg9[%dma_wait3A_112] : memref<512xi32, #tpu.memory_space<vmem>> -> memref<128xi32, #tpu.memory_space<vmem>>
    %dma_wait3A_114 = arith.constant 0 : i32
    %dma_wait3A_115 = arith.constant 0 : i32
    %dma_wait3A_116 = tpu.memref_slice %arg5[%dma_wait3A_114, %dma_wait3A_115] : memref<100000x128xf32, #tpu.memory_space<hbm>> -> memref<100000x128xf32, #tpu.memory_space<hbm>>
    tpu.wait_indirect_dma semaphore(%arg12 : memref<!tpu.dma_semaphore, #tpu.memory_space<semaphore_mem>>) src(%dma_wait3A_116 : memref<100000x128xf32, #tpu.memory_space<hbm>>) dst(%dma_wait3A_111 : memref<128x128xf32, #tpu.memory_space<vmem>>)
    %dma_wait3A_117 = arith.constant 128 : i32
    %dma_wait3A_118 = arith.constant 0 : i32
    %dma_wait3A_119 = tpu.memref_slice %arg10[%dma_wait3A_117, %dma_wait3A_118] : memref<256x128xf32, #tpu.memory_space<vmem>> -> memref<128x128xf32, #tpu.memory_space<vmem>>
    %dma_wait3A_120 = arith.constant 384 : i32
    %dma_wait3A_121 = tpu.memref_slice %arg8[%dma_wait3A_120] : memref<512xi32, #tpu.memory_space<vmem>> -> memref<128xi32, #tpu.memory_space<vmem>>
    %dma_wait3A_122 = arith.constant 0 : i32
    %dma_wait3A_123 = arith.constant 0 : i32
    %dma_wait3A_124 = tpu.memref_slice %arg4[%dma_wait3A_122, %dma_wait3A_123] : memref<1000000x128xf32, #tpu.memory_space<hbm>> -> memref<1000000x128xf32, #tpu.memory_space<hbm>>
    tpu.wait_indirect_dma semaphore(%arg12 : memref<!tpu.dma_semaphore, #tpu.memory_space<semaphore_mem>>) src(%dma_wait3A_124 : memref<1000000x128xf32, #tpu.memory_space<hbm>>) dst(%dma_wait3A_119 : memref<128x128xf32, #tpu.memory_space<vmem>>)
    %dma_wait3A_125 = arith.constant 128 : i32
    %dma_wait3A_126 = arith.constant 0 : i32
    %dma_wait3A_127 = tpu.memref_slice %arg11[%dma_wait3A_125, %dma_wait3A_126] : memref<256x128xf32, #tpu.memory_space<vmem>> -> memref<128x128xf32, #tpu.memory_space<vmem>>
    %dma_wait3A_128 = arith.constant 384 : i32
    %dma_wait3A_129 = tpu.memref_slice %arg9[%dma_wait3A_128] : memref<512xi32, #tpu.memory_space<vmem>> -> memref<128xi32, #tpu.memory_space<vmem>>
    %dma_wait3A_130 = arith.constant 0 : i32
    %dma_wait3A_131 = arith.constant 0 : i32
    %dma_wait3A_132 = tpu.memref_slice %arg5[%dma_wait3A_130, %dma_wait3A_131] : memref<100000x128xf32, #tpu.memory_space<hbm>> -> memref<100000x128xf32, #tpu.memory_space<hbm>>
    tpu.wait_indirect_dma semaphore(%arg12 : memref<!tpu.dma_semaphore, #tpu.memory_space<semaphore_mem>>) src(%dma_wait3A_132 : memref<100000x128xf32, #tpu.memory_space<hbm>>) dst(%dma_wait3A_127 : memref<128x128xf32, #tpu.memory_space<vmem>>)
    %add3A_133 = arith.constant 256 : i32
    %add3A_134 = arith.addi %mul3A_2, %add3A_133 : i32
    "tpu.region"() ({
      %run_scoped3A = tpu.sem_alloc : memref<!tpu.dma_semaphore, #tpu.memory_space<semaphore_mem>>
      %dma_start3A_137 = arith.constant 0 : i32
      %dma_start3A_138 = tpu.memref_slice %arg6[%add3A_134, %dma_start3A_137] : memref<16384x128xf32, #tpu.memory_space<hbm>> -> memref<256x128xf32, #tpu.memory_space<hbm>>
      %dma_start3A_139 = arith.constant 0 : i32
      %dma_start3A_140 = tpu.memref_slice %arg6[%add3A_134, %dma_start3A_139] : memref<16384x128xf32, #tpu.memory_space<hbm>> -> memref<256x128xf32, #tpu.memory_space<hbm>>
      tpu.enqueue_dma source(%arg10 : memref<256x128xf32, #tpu.memory_space<vmem>>) target(%dma_start3A_140 : memref<256x128xf32, #tpu.memory_space<hbm>>) target_semaphore(%run_scoped3A : memref<!tpu.dma_semaphore, #tpu.memory_space<semaphore_mem>>)
      %dma_wait3A_141 = arith.constant 0 : i32
      %dma_wait3A_142 = tpu.memref_slice %arg6[%add3A_134, %dma_wait3A_141] : memref<16384x128xf32, #tpu.memory_space<hbm>> -> memref<256x128xf32, #tpu.memory_space<hbm>>
      %dma_wait3A_143 = arith.constant 0 : i32
      %dma_wait3A_144 = tpu.memref_slice %arg6[%add3A_134, %dma_wait3A_143] : memref<16384x128xf32, #tpu.memory_space<hbm>> -> memref<256x128xf32, #tpu.memory_space<hbm>>
      tpu.wait_dma2 semaphore(%run_scoped3A : memref<!tpu.dma_semaphore, #tpu.memory_space<semaphore_mem>>) src(%arg10 : memref<256x128xf32, #tpu.memory_space<vmem>>) dst(%dma_wait3A_144 : memref<256x128xf32, #tpu.memory_space<hbm>>)
      tpu.yield
    }) : () -> ()
    %add3A_135 = arith.constant 256 : i32
    %add3A_136 = arith.addi %mul3A_2, %add3A_135 : i32
    "tpu.region"() ({
      %run_scoped3A = tpu.sem_alloc : memref<!tpu.dma_semaphore, #tpu.memory_space<semaphore_mem>>
      %dma_start3A_137 = arith.constant 0 : i32
      %dma_start3A_138 = tpu.memref_slice %arg7[%add3A_136, %dma_start3A_137] : memref<16384x128xf32, #tpu.memory_space<hbm>> -> memref<256x128xf32, #tpu.memory_space<hbm>>
      %dma_start3A_139 = arith.constant 0 : i32
      %dma_start3A_140 = tpu.memref_slice %arg7[%add3A_136, %dma_start3A_139] : memref<16384x128xf32, #tpu.memory_space<hbm>> -> memref<256x128xf32, #tpu.memory_space<hbm>>
      tpu.enqueue_dma source(%arg11 : memref<256x128xf32, #tpu.memory_space<vmem>>) target(%dma_start3A_140 : memref<256x128xf32, #tpu.memory_space<hbm>>) target_semaphore(%run_scoped3A : memref<!tpu.dma_semaphore, #tpu.memory_space<semaphore_mem>>)
      %dma_wait3A_141 = arith.constant 0 : i32
      %dma_wait3A_142 = tpu.memref_slice %arg7[%add3A_136, %dma_wait3A_141] : memref<16384x128xf32, #tpu.memory_space<hbm>> -> memref<256x128xf32, #tpu.memory_space<hbm>>
      %dma_wait3A_143 = arith.constant 0 : i32
      %dma_wait3A_144 = tpu.memref_slice %arg7[%add3A_136, %dma_wait3A_143] : memref<16384x128xf32, #tpu.memory_space<hbm>> -> memref<256x128xf32, #tpu.memory_space<hbm>>
      tpu.wait_dma2 semaphore(%run_scoped3A : memref<!tpu.dma_semaphore, #tpu.memory_space<semaphore_mem>>) src(%arg11 : memref<256x128xf32, #tpu.memory_space<vmem>>) dst(%dma_wait3A_144 : memref<256x128xf32, #tpu.memory_space<hbm>>)
      tpu.yield
    }) : () -> ()
    return
  }
}

module attributes {stable_mosaic.version = 14 : i64} {
  func.func @_tc_mlp_body(%arg0: i32, %arg1: memref<32x2048xf32, #tpu.memory_space<vmem>>, %arg2: memref<32x2048xf32, #tpu.memory_space<vmem>>, %arg3: memref<2048x128xf32, #tpu.memory_space<vmem>>, %arg4: memref<2048x128xf32, #tpu.memory_space<vmem>>, %arg5: memref<128x128xf32, #tpu.memory_space<vmem>>, %arg6: memref<128x128xf32, #tpu.memory_space<vmem>>, %arg7: memref<1x128xf32, #tpu.memory_space<vmem>>, %arg8: memref<128x64xf32, #tpu.memory_space<vmem>>, %arg9: memref<1x64xf32, #tpu.memory_space<vmem>>, %arg10: memref<64x32xf32, #tpu.memory_space<vmem>>, %arg11: memref<1x32xf32, #tpu.memory_space<vmem>>, %arg12: memref<1x32xf32, #tpu.memory_space<vmem>>, %arg13: memref<32x1xf32, #tpu.memory_space<vmem>>, %arg14: memref<1x1xf32, #tpu.memory_space<vmem>>, %arg15: memref<2048xf32, #tpu.memory_space<vmem>>) attributes {dimension_semantics = [#tpu.dimension_semantics<arbitrary>], iteration_bounds = array<i64: 8>, scalar_prefetch = 0 : i64, scratch_operands = 0 : i64, tpu.core_type = #tpu.core_type<tc>, window_params = [{transform_indices = @transform_0, window_bounds = array<i64: 32, 2048>}, {transform_indices = @transform_1, window_bounds = array<i64: 32, 2048>}, {transform_indices = @transform_2, window_bounds = array<i64: 2048, 128>}, {transform_indices = @transform_3, window_bounds = array<i64: 2048, 128>}, {pipeline_mode = #tpu.pipeline_mode<synchronous>, transform_indices = @transform_4, window_bounds = array<i64: 128, 128>}, {pipeline_mode = #tpu.pipeline_mode<synchronous>, transform_indices = @transform_5, window_bounds = array<i64: 128, 128>}, {pipeline_mode = #tpu.pipeline_mode<synchronous>, transform_indices = @transform_6, window_bounds = array<i64: 1, 128>}, {pipeline_mode = #tpu.pipeline_mode<synchronous>, transform_indices = @transform_7, window_bounds = array<i64: 128, 64>}, {pipeline_mode = #tpu.pipeline_mode<synchronous>, transform_indices = @transform_8, window_bounds = array<i64: 1, 64>}, {pipeline_mode = #tpu.pipeline_mode<synchronous>, transform_indices = @transform_9, window_bounds = array<i64: 64, 32>}, {pipeline_mode = #tpu.pipeline_mode<synchronous>, transform_indices = @transform_10, window_bounds = array<i64: 1, 32>}, {pipeline_mode = #tpu.pipeline_mode<synchronous>, transform_indices = @transform_11, window_bounds = array<i64: 1, 32>}, {pipeline_mode = #tpu.pipeline_mode<synchronous>, transform_indices = @transform_12, window_bounds = array<i64: 32, 1>}, {pipeline_mode = #tpu.pipeline_mode<synchronous>, transform_indices = @transform_13, window_bounds = array<i64: 1, 1>}, {transform_indices = @transform_14, window_bounds = array<i64: 2048>}]} {
    %get3A = arith.constant 0 : index
    %get3A_0 = arith.constant 0 : index
    %get3A_1 = vector.load %arg3[%get3A, %get3A_0] : memref<2048x128xf32, #tpu.memory_space<vmem>>, vector<2048x128xf32>
    %get3A_2 = arith.constant 0 : index
    %get3A_3 = arith.constant 0 : index
    %get3A_4 = vector.load %arg5[%get3A_2, %get3A_3] : memref<128x128xf32, #tpu.memory_space<vmem>>, vector<128x128xf32>
    %dot_general3A = arith.constant dense<0.000000e+00> : vector<2048x128xf32>
    %dot_general3A_5 = tpu.matmul %get3A_1, %get3A_4, %dot_general3A {dimension_numbers = #tpu.dot_dimension_numbers<[1], [0], [0], [1], [0, 0, 1, 1], [], []>, transpose_lhs_hint = false} : vector<2048x128xf32>, vector<128x128xf32>, vector<2048x128xf32> -> vector<2048x128xf32>
    %get3A_6 = arith.constant 0 : index
    %get3A_7 = arith.constant 0 : index
    %get3A_8 = vector.load %arg4[%get3A_6, %get3A_7] : memref<2048x128xf32, #tpu.memory_space<vmem>>, vector<2048x128xf32>
    %get3A_9 = arith.constant 0 : index
    %get3A_10 = arith.constant 0 : index
    %get3A_11 = vector.load %arg6[%get3A_9, %get3A_10] : memref<128x128xf32, #tpu.memory_space<vmem>>, vector<128x128xf32>
    %dot_general3A_12 = arith.constant dense<0.000000e+00> : vector<2048x128xf32>
    %dot_general3A_13 = tpu.matmul %get3A_8, %get3A_11, %dot_general3A_12 {dimension_numbers = #tpu.dot_dimension_numbers<[1], [0], [0], [1], [0, 0, 1, 1], [], []>, transpose_lhs_hint = false} : vector<2048x128xf32>, vector<128x128xf32>, vector<2048x128xf32> -> vector<2048x128xf32>
    %add3A = arith.addf %dot_general3A_5, %dot_general3A_13 : vector<2048x128xf32>
    %get3A_14 = arith.constant 0 : index
    %get3A_15 = arith.constant 0 : index
    %get3A_16 = vector.load %arg7[%get3A_14, %get3A_15] : memref<1x128xf32, #tpu.memory_space<vmem>>, vector<1x128xf32>
    %add3A_17 = vector.broadcast %get3A_16 : vector<1x128xf32> to vector<2048x128xf32>
    %add3A_18 = arith.addf %add3A, %add3A_17 : vector<2048x128xf32>
    %max3A = arith.constant 0.000000e+00 : f32
    %max3A_19 = vector.broadcast %max3A : f32 to vector<2048x128xf32>
    %max3A_20 = arith.maximumf %add3A_18, %max3A_19 : vector<2048x128xf32>
    %get3A_21 = arith.constant 0 : index
    %get3A_22 = arith.constant 0 : index
    %get3A_23 = vector.load %arg8[%get3A_21, %get3A_22] : memref<128x64xf32, #tpu.memory_space<vmem>>, vector<128x64xf32>
    %dot_general3A_24 = arith.constant dense<0.000000e+00> : vector<2048x64xf32>
    %dot_general3A_25 = tpu.matmul %max3A_20, %get3A_23, %dot_general3A_24 {dimension_numbers = #tpu.dot_dimension_numbers<[1], [0], [0], [1], [0, 0, 1, 1], [], []>, transpose_lhs_hint = false} : vector<2048x128xf32>, vector<128x64xf32>, vector<2048x64xf32> -> vector<2048x64xf32>
    %get3A_26 = arith.constant 0 : index
    %get3A_27 = arith.constant 0 : index
    %get3A_28 = vector.load %arg9[%get3A_26, %get3A_27] : memref<1x64xf32, #tpu.memory_space<vmem>>, vector<1x64xf32>
    %add3A_29 = vector.broadcast %get3A_28 : vector<1x64xf32> to vector<2048x64xf32>
    %add3A_30 = arith.addf %dot_general3A_25, %add3A_29 : vector<2048x64xf32>
    %max3A_31 = arith.constant 0.000000e+00 : f32
    %max3A_32 = vector.broadcast %max3A_31 : f32 to vector<2048x64xf32>
    %max3A_33 = arith.maximumf %add3A_30, %max3A_32 : vector<2048x64xf32>
    %get3A_34 = arith.constant 0 : index
    %get3A_35 = arith.constant 0 : index
    %get3A_36 = vector.load %arg10[%get3A_34, %get3A_35] : memref<64x32xf32, #tpu.memory_space<vmem>>, vector<64x32xf32>
    %dot_general3A_37 = arith.constant dense<0.000000e+00> : vector<2048x32xf32>
    %dot_general3A_38 = tpu.matmul %max3A_33, %get3A_36, %dot_general3A_37 {dimension_numbers = #tpu.dot_dimension_numbers<[1], [0], [0], [1], [0, 0, 1, 1], [], []>, transpose_lhs_hint = false} : vector<2048x64xf32>, vector<64x32xf32>, vector<2048x32xf32> -> vector<2048x32xf32>
    %get3A_39 = arith.constant 0 : index
    %get3A_40 = arith.constant 0 : index
    %get3A_41 = vector.load %arg11[%get3A_39, %get3A_40] : memref<1x32xf32, #tpu.memory_space<vmem>>, vector<1x32xf32>
    %add3A_42 = vector.broadcast %get3A_41 : vector<1x32xf32> to vector<2048x32xf32>
    %add3A_43 = arith.addf %dot_general3A_38, %add3A_42 : vector<2048x32xf32>
    %max3A_44 = arith.constant 0.000000e+00 : f32
    %max3A_45 = vector.broadcast %max3A_44 : f32 to vector<2048x32xf32>
    %max3A_46 = arith.maximumf %add3A_43, %max3A_45 : vector<2048x32xf32>
    %get3A_47 = arith.constant 0 : index
    %get3A_48 = arith.constant 0 : index
    %get3A_49 = vector.load %arg1[%get3A_47, %get3A_48] : memref<32x2048xf32, #tpu.memory_space<vmem>>, vector<32x2048xf32>
    %get3A_50 = arith.constant 0 : index
    %get3A_51 = arith.constant 0 : index
    %get3A_52 = vector.load %arg2[%get3A_50, %get3A_51] : memref<32x2048xf32, #tpu.memory_space<vmem>>, vector<32x2048xf32>
    %mul3A = arith.mulf %get3A_49, %get3A_52 : vector<32x2048xf32>
    %get3A_53 = arith.constant 0 : index
    %get3A_54 = arith.constant 0 : index
    %get3A_55 = vector.load %arg12[%get3A_53, %get3A_54] : memref<1x32xf32, #tpu.memory_space<vmem>>, vector<1x32xf32>
    %dot_general3A_56 = arith.constant dense<0.000000e+00> : vector<1x2048xf32>
    %dot_general3A_57 = tpu.matmul %get3A_55, %mul3A, %dot_general3A_56 {dimension_numbers = #tpu.dot_dimension_numbers<[1], [0], [0], [1], [0, 0, 1, 1], [], []>, transpose_lhs_hint = false} : vector<1x32xf32>, vector<32x2048xf32>, vector<1x2048xf32> -> vector<1x2048xf32>
    %get3A_58 = arith.constant 0 : index
    %get3A_59 = arith.constant 0 : index
    %get3A_60 = vector.load %arg13[%get3A_58, %get3A_59] : memref<32x1xf32, #tpu.memory_space<vmem>>, vector<32x1xf32>
    %dot_general3A_61 = arith.constant dense<0.000000e+00> : vector<2048x1xf32>
    %dot_general3A_62 = tpu.matmul %max3A_46, %get3A_60, %dot_general3A_61 {dimension_numbers = #tpu.dot_dimension_numbers<[1], [0], [0], [1], [0, 0, 1, 1], [], []>, transpose_lhs_hint = false} : vector<2048x32xf32>, vector<32x1xf32>, vector<2048x1xf32> -> vector<2048x1xf32>
    %squeeze3A = vector.shape_cast %dot_general3A_57 : vector<1x2048xf32> to vector<2048xf32>
    %squeeze3A_63 = vector.shape_cast %dot_general3A_62 : vector<2048x1xf32> to vector<2048xf32>
    %add3A_64 = arith.addf %squeeze3A, %squeeze3A_63 : vector<2048xf32>
    %get3A_65 = arith.constant 0 : index
    %get3A_66 = arith.constant 0 : index
    %get3A_67 = vector.load %arg14[%get3A_65, %get3A_66] : memref<1x1xf32, #tpu.memory_space<vmem>>, vector<1x1xf32>
    %get3A_68 = vector.extract %get3A_67[0, 0] : f32 from vector<1x1xf32>
    %add3A_69 = vector.broadcast %get3A_68 : f32 to vector<2048xf32>
    %add3A_70 = arith.addf %add3A_64, %add3A_69 : vector<2048xf32>
    %swap3A = arith.constant 0 : index
    %swap3A_71 = vector.load %arg15[%swap3A] : memref<2048xf32, #tpu.memory_space<vmem>>, vector<2048xf32>
    tpu.vector_store %arg15[%swap3A], %add3A_70 {strides = array<i32>} : memref<2048xf32, #tpu.memory_space<vmem>>, vector<2048xf32>,
    return
  }
  func.func @transform_0(%arg0: i32) -> (i32, i32) {
    %c0_i32 = arith.constant 0 : i32
    %c0_i32_0 = arith.constant 0 : i32
    return %c0_i32, %arg0 : i32, i32
  }
  func.func @transform_1(%arg0: i32) -> (i32, i32) {
    %c0_i32 = arith.constant 0 : i32
    %c0_i32_0 = arith.constant 0 : i32
    return %c0_i32, %arg0 : i32, i32
  }
  func.func @transform_2(%arg0: i32) -> (i32, i32) {
    %c0_i32 = arith.constant 0 : i32
    %c0_i32_0 = arith.constant 0 : i32
    return %arg0, %c0_i32 : i32, i32
  }
  func.func @transform_3(%arg0: i32) -> (i32, i32) {
    %c0_i32 = arith.constant 0 : i32
    %c0_i32_0 = arith.constant 0 : i32
    return %arg0, %c0_i32 : i32, i32
  }
  func.func @transform_4(%arg0: i32) -> (i32, i32) {
    %c0_i32 = arith.constant 0 : i32
    %c0_i32_0 = arith.constant 0 : i32
    %c0_i32_1 = arith.constant 0 : i32
    return %c0_i32, %c0_i32_0 : i32, i32
  }
  func.func @transform_5(%arg0: i32) -> (i32, i32) {
    %c0_i32 = arith.constant 0 : i32
    %c0_i32_0 = arith.constant 0 : i32
    %c0_i32_1 = arith.constant 0 : i32
    return %c0_i32, %c0_i32_0 : i32, i32
  }
  func.func @transform_6(%arg0: i32) -> (i32, i32) {
    %c0_i32 = arith.constant 0 : i32
    %c0_i32_0 = arith.constant 0 : i32
    %c0_i32_1 = arith.constant 0 : i32
    return %c0_i32, %c0_i32_0 : i32, i32
  }
  func.func @transform_7(%arg0: i32) -> (i32, i32) {
    %c0_i32 = arith.constant 0 : i32
    %c0_i32_0 = arith.constant 0 : i32
    %c0_i32_1 = arith.constant 0 : i32
    return %c0_i32, %c0_i32_0 : i32, i32
  }
  func.func @transform_8(%arg0: i32) -> (i32, i32) {
    %c0_i32 = arith.constant 0 : i32
    %c0_i32_0 = arith.constant 0 : i32
    %c0_i32_1 = arith.constant 0 : i32
    return %c0_i32, %c0_i32_0 : i32, i32
  }
  func.func @transform_9(%arg0: i32) -> (i32, i32) {
    %c0_i32 = arith.constant 0 : i32
    %c0_i32_0 = arith.constant 0 : i32
    %c0_i32_1 = arith.constant 0 : i32
    return %c0_i32, %c0_i32_0 : i32, i32
  }
  func.func @transform_10(%arg0: i32) -> (i32, i32) {
    %c0_i32 = arith.constant 0 : i32
    %c0_i32_0 = arith.constant 0 : i32
    %c0_i32_1 = arith.constant 0 : i32
    return %c0_i32, %c0_i32_0 : i32, i32
  }
  func.func @transform_11(%arg0: i32) -> (i32, i32) {
    %c0_i32 = arith.constant 0 : i32
    %c0_i32_0 = arith.constant 0 : i32
    %c0_i32_1 = arith.constant 0 : i32
    return %c0_i32, %c0_i32_0 : i32, i32
  }
  func.func @transform_12(%arg0: i32) -> (i32, i32) {
    %c0_i32 = arith.constant 0 : i32
    %c0_i32_0 = arith.constant 0 : i32
    %c0_i32_1 = arith.constant 0 : i32
    return %c0_i32, %c0_i32_0 : i32, i32
  }
  func.func @transform_13(%arg0: i32) -> (i32, i32) {
    %c0_i32 = arith.constant 0 : i32
    %c0_i32_0 = arith.constant 0 : i32
    %c0_i32_1 = arith.constant 0 : i32
    return %c0_i32, %c0_i32_0 : i32, i32
  }
  func.func @transform_14(%arg0: i32) -> i32 {
    %c0_i32 = arith.constant 0 : i32
    return %arg0 : i32
  }
}

</mosaic_0001>

<sc_bundles>
// kernel: gather_offload_async_start.1
scs
__scs_entry_jumppad:
0x0: {  	(pc) =	sbr.rel $0x88, $3  }
0x1: {  	(tag) =	ssettag $0x0;
	lr =	simm.s32 $0x1  }
0x2: {  	[smem:$0x3F93] =	sst lr;
	_ =	strace $0xD0000000  }
0x3: {  	_ = 	snop  }
0x4: {  	_ = 	snop  }
0x5: {  	_ = 	snop  }
0x6: {  	_ = 	snop  }
0x7: {  	_ = 	snop  }
__scs_overlays_trampoline_lowered:
0x8: {  	[smem:$0x3FA2] =	sst s0  }
0x9: {  	[smem:$0x3FA3] =	sst s1  }
0xa: {  	[smem:$0x3FA4] =	sst s2  }
0xb: {  	[smem:$0x3FA5] =	sst s3  }
0xc: {  	[smem:$0x3FA6] =	sst s4  }
0xd: {  	[smem:$0x3FA7] =	sst s5  }
0xe: {  	[smem:$0x3FA8] =	sst s6  }
0xf: {  	[smem:$0x3FA9] =	sst s7  }
0x10: {  	[smem:$0x3FAA] =	sst s8  }
0x11: {  	[smem:$0x3FAB] =	sst s9;
	s0 =	simm.s32 @!p0 $0x0  }
0x12: {  	s1 =	sld [smem:$0x3F91];
	s0 =	simm.s32 @p0 $0x1  }
0x13: {  	[smem:$0x3FAC] =	sst s0;
	s0 =	simm.s32 @!p1 $0x0  }
0x14: {  	s2 =	sld [smem:$0x3F90];
	s0 =	simm.s32 @p1 $0x1  }
0x15: {  	[smem:$0x3FAD] =	sst s0;
	s0 =	simm.s32 @!p2 $0x0  }
0x16: {  	s3 =	sld [smem:$0x3FDB];
	s0 =	simm.s32 @p2 $0x1  }
0x17: {  	s4 =	simm.s32 $0x1BF5;
	[smem:$0x3FAF] =	sst s0  }
0x18: {  	s0 =	sld [smem:$0x3F92];
	_ =	swait.ge [sflag:s4], $0x0  }
0x19: {  	s7 =	sld [smem:$0x3F93]  }
0x1a: {  	s8 =	sadd.s32 $0xFFFFE003, lr  }
0x1b: {  	s9 =	sadd.s32 $0xFFFFFEF7, lr;
	s5 =	simm.s32 $0xFFFFFFFF;
	p2 =	slt.u32 s8, $0xFFFFF086  }
0x1c: {  	p1 =	slt.u32 s9, $0xF7A;
	s5 =	simm.s32 @!p2 $0x0  }
0x1d: {  	s5 =	simm.s32 @p1 $0x1;
	p0 =	seq.s32 s7, s2  }
0x1e: {  	s7 =	smul.u32 @!p0 $0xF7A, s2;
	p2 =	seq.s32 @!p0 s5, $0x0  }
0x1f: {  	s9 =	smul.u32 $0xF7A, s1;
	s8 =	simm.s32 @!p0 $0x1BF5;
	p2 =	por !p2, p0  }
0x20: {  	[sflag:s8] =	ssyncset.s32 @!p0 $0xFFFFF086;
	s6 =	sadd.s32 @!p0 s3, s7;
	s7 =	simm.s32 @!p0 $0x108  }
0x21: {  	s3 =	sadd.s32 s3, s9;
	s6 =	sadd.s32 @!p0 $0x88, s6;
	s7 =	simm.s32 @p2 $0x1082  }
0x22: {  	[simem:s7], [sflag:s8] =	dma.local @!p0 [hbm:s6], $0xF7A  }
0x23: {  	s9 =	sor.u32 $0xD0000000, s2;
	s6 =	simm.s32 $0x108;
	_ =	swait.ge @!p0 [sflag:s8], $0x0  }
0x24: {  	s3 =	sadd.s32 $0x88, s3;
	s6 =	simm.s32 @!p1 $0x1082;
	[sflag:s4] =	ssyncset.s32 $0xFFFFF086  }
0x25: {  	[simem:s6], [sflag:s4] =	dma.local [hbm:s3], $0xF7A  }
0x26: {  	[smem:$0x3F93] =	sst s1;
	(tag) =	ssettag s2;
	_ =	strace s9  }
0x27: {  	s1 =	sld [smem:$0x3FA3]  }
0x28: {  	s2 =	sld [smem:$0x3FA4]  }
0x29: {  	s4 =	sld [smem:$0x3FA6]  }
0x2a: {  	p0 =	seq.s32 s5, $0x0;
	s5 =	sld [smem:$0x3FA7]  }
0x2b: {  	s6 =	sld [smem:$0x3FA8]  }
0x2c: {  	s7 =	sld [smem:$0x3FA9]  }
0x2d: {  	s3 =	simm.s32 $0x108;
	s8 =	sld [smem:$0x3FAA]  }
0x2e: {  	s3 =	simm.s32 @!p0 $0x1082;
	s9 =	sld [smem:$0x3FAB]  }
0x2f: {  	lr =	sadd.s32 s0, s3;
	s0 =	sld [smem:$0x3FA2]  }
0x30: {  	s3 =	sld [smem:$0x3FA5]  }
0x31: {  	[smem:$0x3FAE] =	sst s10  }
0x32: {  	s10 =	sld [smem:$0x3FAC];
	_ =	sdelay $0x3  }
0x33: {  	p0 =	seq.s32 s10, $0x1;
	s10 =	sld [smem:$0x3FAE];
	_ =	sdelay $0x3  }
0x34: {  	[smem:$0x3FAE] =	sst s10  }
0x35: {  	s10 =	sld [smem:$0x3FAD];
	_ =	sdelay $0x3  }
0x36: {  	p1 =	seq.s32 s10, $0x1;
	s10 =	sld [smem:$0x3FAE];
	_ =	sdelay $0x3  }
0x37: {  	[smem:$0x3FAE] =	sst s10  }
0x38: {  	s10 =	sld [smem:$0x3FAF]  }
0x39: {  	_ = 	snop;
	(pc) =	sbr.ind lr, $3  }
0x3a: {  	_ = 	snop  }
0x3b: {  	_ = 	snop  }
0x3c: {  	p2 =	seq.s32 s10, $0x1;
	s10 =	sld [smem:$0x3FAE]  }
0x3d: {  	_ =	shalt  }
0x3e: {  	_ =	shalt  }
0x3f: {  	_ =	shalt  }
0x40: {  	_ =	shalt  }
0x41: {  	_ =	shalt  }
0x42: {  	_ =	shalt  }
0x43: {  	_ =	shalt  }
0x44: {  	_ =	shalt  }
0x45: {  	_ =	shalt  }
0x46: {  	_ =	shalt  }
0x47: {  	_ =	shalt  }
0x48: {  	_ =	shalt  }
0x49: {  	_ =	shalt  }
0x4a: {  	_ =	shalt  }
0x4b: {  	_ =	shalt  }
0x4c: {  	_ =	shalt  }
0x4d: {  	_ =	shalt  }
0x4e: {  	_ =	shalt  }
0x4f: {  	_ =	shalt  }
0x50: {  	_ =	shalt  }
0x51: {  	_ =	shalt  }
0x52: {  	_ =	shalt  }
0x53: {  	_ =	shalt  }
0x54: {  	_ =	shalt  }
0x55: {  	_ =	shalt  }
0x56: {  	_ =	shalt  }
0x57: {  	_ =	shalt  }
0x58: {  	_ =	shalt  }
0x59: {  	_ =	shalt  }
0x5a: {  	_ =	shalt  }
0x5b: {  	_ =	shalt  }
0x5c: {  	_ =	shalt  }
0x5d: {  	_ =	shalt  }
0x5e: {  	_ =	shalt  }
0x5f: {  	_ =	shalt  }
0x60: {  	_ =	shalt  }
0x61: {  	_ =	shalt  }
0x62: {  	_ =	shalt  }
0x63: {  	_ =	shalt  }
0x64: {  	_ =	shalt  }
0x65: {  	_ =	shalt  }
0x66: {  	_ =	shalt  }
0x67: {  	_ =	shalt  }
0x68: {  	_ =	shalt  }
0x69: {  	_ =	shalt  }
0x6a: {  	_ =	shalt  }
0x6b: {  	_ =	shalt  }
0x6c: {  	_ =	shalt  }
0x6d: {  	_ =	shalt  }
0x6e: {  	_ =	shalt  }
0x6f: {  	_ =	shalt  }
0x70: {  	_ =	shalt  }
0x71: {  	_ =	shalt  }
0x72: {  	_ =	shalt  }
0x73: {  	_ =	shalt  }
0x74: {  	_ =	shalt  }
0x75: {  	_ =	shalt  }
0x76: {  	_ =	shalt  }
0x77: {  	_ =	shalt  }
0x78: {  	_ =	shalt  }
0x79: {  	_ =	shalt  }
0x7a: {  	_ =	shalt  }
0x7b: {  	_ =	shalt  }
0x7c: {  	_ =	shalt  }
0x7d: {  	_ =	shalt  }
0x7e: {  	_ =	shalt  }
0x7f: {  	_ =	shalt  }
0x80: {  	_ =	shalt  }
0x81: {  	_ =	shalt  }
0x82: {  	_ =	shalt  }
0x83: {  	_ =	shalt  }
0x84: {  	_ =	shalt  }
0x85: {  	_ =	shalt  }
0x86: {  	_ =	shalt  }
0x87: {  	_ =	shalt  }
.Lfunc_end0:
.L_simem_size_0:
called_computation.1_lowered:
.L_overlay_start_0:
0x88: {  	s2 =	sld [smem:$0x3FD9]  }
0x89: {  	s3 =	sld [smem:$0x3FFE];
	_ =	sdelay $0x1  }
0x8a: {  	s1 =	srdreg.scid  }
0x8b: {  	s0 =	sand.u32 $0x1, s1  }
0x8c: {  	s16 =	sshll.u32 s0, $0xA;
	s2 =	sadd.s32 s3, s2  }
0x8d: {  	s2 =	sadd.s32 s2, s16  }
0x8e: {  	[smem:$0x3FBA] =	sst s2  }
0x8f: {  	_ = 	snop  }
0x90: {  	(tm) =	ssettm $0x1  }
0x91: {  	s17 =	sld [smem:$0x3FFB];
	_ =	sdelay $0x3  }
0x92: {  	_ =	strace s17  }
0x93: {  	s2 =	sld [smem:$0x3FFC];
	_ =	sdelay $0x3  }
0x94: {  	_ =	strace s2  }
0x95: {  	s2 =	sld [smem:$0x3FFD];
	_ =	sdelay $0x3  }
0x96: {  	_ =	strace s2  }
0x97: {  	_ =	strace $0x8FFFFFFF  }
0x98: {  	s18 =	sld [smem:$0x3FDB];
	_ =	sdelay $0x1  }
0x99: {  	s19 =	simm.s32 $_scs_section_size  }
0x9a: {  	s4 =	simm.s32 $_size__tile_overlayer_lowered;
	s5 =	simm.s32 $_tile_overlayer_lowered  }
0x9b: {  	s22 =	simm.s32 $0x1BFF;
	s21 =	sshll.u32 s5, $0x1;
	s2 =	sadd.s32 s19, s18  }
0x9c: {  	s6 =	simm.s32 $0x0;
	s20 =	sshll.u32 s4, $0x1;
	s4 =	sadd.s32 s21, s2  }
0x9d: {  	[timem:s6], [sflag:s22] =	dma.local [hbm:s4], s20  }
0x9e: {  	_ =	swait.ge [sflag:s22], s20  }
0x9f: {  	s3 =	ssub.s32 $0x0, s20;
	[sflag:s22] =	ssyncset.done $0x0  }
0xa0: {  	[sflag:s22] =	ssyncadd.s32 s3;
	_ =	sdelay $0x1  }
0xa1: {  	s23 =	simm.s32 $0x1B8B  }
0xa2: {  	_ =	swait.ge [sflag:s23], $0x1  }
0xa3: {  	[sflag:s23] =	ssyncset.done $0x0  }
0xa4: {  	s25 =	simm.s32 $0x1B8E;
	s24 =	sld [smem:$0x3FFE];
	[sflag:s23] =	ssyncadd.s32 $0xFFFFFFFF  }
0xa5: {  	s26 =	simm.s32 $execute0_lowered;
	[smem:$0x3FD2] =	sst s25  }
0xa6: {  	s4 =	sshll.u32 s26, $0x1;
	_ =	strace $0x80000046;
	[dreg:$0x1] =	wrdreg $0xFFFFFFFF  }
0xa7: {  	s28 =	simm.s32 $_size_execute0_lowered;
	s2 =	sadd.s32 s2, s4;
	[dreg:$0x0] =	wrdreg $0x0  }
0xa8: {  	s4 =	sshll.u32 s28, $0x1;
	[dreg:$0x2] =	wrdreg s2  }
0xa9: {  	[dreg:$0x3] =	wrdreg s4  }
0xaa: {  	[dreg:$0x4] =	wrdreg $0xC0  }
0xab: {  	_ =	task [dreg:s6], $0x5FFFF  }
0xac: {  	[dreg:$0x1] =	wrdreg $0xFFFFFFFF  }
0xad: {  	[dreg:$0x0] =	wrdreg $0x60  }
0xae: {  	[dreg:$0x2] =	wrdreg s24  }
0xaf: {  	[dreg:$0x3] =	wrdreg $0xA  }
0xb0: {  	_ =	task.clear_ibuf [dreg:s6], $0x4FFFF;
	_ =	strace $0x90000046  }
0xb1: {  	s29 =	simm.s32 $0xA;
	_ =	strace $0x80000048  }
0xb2: {  	_ =	swait.ge [sflag:s29], $0x1  }
0xb3: {  	[sflag:s29] =	ssyncadd.s32 $0xFFFFFFFF  }
0xb4: {  	_ =	strace $0x90000048  }
0xb5: {  	_ =	sfence  }
0xb6: {  	s30 =	sld [smem:$0x0];
	_ =	sdelay $0x2  }
0xb7: {  	s31 =	sshll.u32 s1, $0xD;
	s1 =	sshrl.u32 s1, $0x2  }
0xb8: {  	s3 =	sand.u32 $0x4000, s31;
	s1 =	sadd.s32 s1, s30  }
0xb9: {  	s0 =	sor.u32 s3, s0;
	s1 =	sshll.u32 s1, $0x11  }
0xba: {  	s0 =	sor.u32 s1, s0  }
0xbb: {  	s0 =	sadd.s32 $0x8F2B, s0  }
0xbc: {  	[sflag:s0] =	ssyncadd.remote.s32 $0x1  }
0xbd: {  	_ =	sfence.sel $0xFFFF  }
0xbe: {  	[dreg:$0x0] =	wrdreg $0xFFFFFFFF;
	(pc) =	sbr.abs _section_cstart, $3  }
0xbf: {  	[dreg:$0x1] =	wrdreg $0xFFFFFFFF  }
0xc0: {  	_ =	task.clear_ibuf [dreg:s6], $0x2FFFF;
	_ =	strace $0x9FFFFFFF  }
0xc1: {  	(tm) =	ssettm $0x7FFFFFFF  }
tec
execute0_lowered:
.L_overlay_start_1:
0x0: {  	(tag) =	ssettag $0x1  }
0x1: {  	s7 =	rddreg [dreg:$0x0]  }
0x2: {  	s0 =	rddreg [dreg:$0x1];
	_ =	strace $0x80000047  }
0x3: {  	s1 =	srdreg.scid;
	s4 =	simm.s32 $0x1;
	s9 =	simm.s32 $0x3  }
0x4: {  	s11 =	simm.s32 $0x0;
	p0 =	por $0x0, $0x0;
	s5 =	sshll.u32 s1, $0x4  }
.Ltmp0:
0x5: {  	s1 =	stileid.u32;
	s5 =	sand.u32 $0x10, s5;
	(pc) =	sbr.rel .LBB2_1-.Ltmp0, $4  }
0x6: {  	s2 =	sadd.s32 $0x2C00, s7;
	s3 =	sadd.s32 $0x189600, s7;
	s6 =	sor.u32 s1, s5  }
0x7: {  	[sflag:s4] =	ssyncpa.u1 $0x0;
	s5 =	simm.s32 $0x2;
	s6 =	sshll.u32 s6, $0x9  }
0x8: {  	s7 =	sadd.s32 $0x189E00, s7;
	[sflag:s5] =	ssyncpa.u1 $0x0;
	s8 =	sadd.s32 $0x200, s6  }
0x9: {  	vm0 =	vmmov $0xff;
	vm1 =	vcmask $0x3F20;
	[sflag:s9] =	ssyncpa.u1 $0x0;
	s10 =	smov.u32 s6;
	s9 =	simm.s32 $0x0  }
.LBB2_7:
0xa: {  	p1 =	slt.u32 s9, $0x2;
	s11 =	sadd.s32 $0x100, s10  }
0xb: {  	s13 =	smov.u32 s6;
	s9 =	sadd.s32 $0x1, s9;
	p2 =	slt.s32 s11, s8  }
0xc: {  	s13 =	smov.u32 @p2 s11;
	p2 =	sne.s32 s9, $0x4  }
.Ltmp1:
0xd: {  	_ = 	snop;
	(pc) =	sbr.rel @!p2 .LBB2_8-.Ltmp1, $4  }
0xe: {  	s12 =	simm.s32 @!p1 $0x3  }
0xf: {  	_ =	swait.ge @!p1 [sflag:s12], $0x8000  }
0x10: {  	p0 =	por !p0, !p0;
	[sflag:s12] =	ssyncset.done @!p1 $0x0  }
0x11: {  	s11 =	smov.u32 s10;
	s10 =	smov.u32 s13;
	[sflag:s12] =	ssyncadd.s32 @!p1 $0xFFFF8000  }
.LBB2_1:
0x12: {  	p1 =	sgt.u32 s9, $0x1  }
0x13: {  	s12 =	sshll.u32 @!p1 s9, $0x8;
	s13 =	sshrl.u32 @!p1 s10, $0x3  }
0x14: {  	s14 =	sand.u32 @!p1 $0x7, s10;
	s12 =	sxor.u32 @!p1 $0x100, s12;
	s13 =	sadd.s32 @!p1 s3, s13  }
0x15: {  	[tilespmem:s12], [sflag:$0x2] =	stream.linear.gather @!p1 [hbm4b:s13+s14], $0x100, $0x38;
	[tilespmem:$0x10200] =	vst v63  }
0x16: {  	p1 =	seq.s32 s9, $0x0  }
0x17: {  	p2 =	seq.s32 @!p1 s9, $0x3  }
0x18: {  	p1 =	por p1, p2  }
.Ltmp2:
0x19: {  	_ = 	snop;
	(pc) =	sbr.rel @p1 .LBB2_7-.Ltmp2, $1  }
0x1a: {  	_ =	sdelay $0x3  }
0x1b: {  	s12 =	simm.s32 $0x1  }
0x1c: {  	_ =	swait.ge [sflag:s5], $0x100;
	s12 =	simm.s32 @!p0 $0x0  }
0x1d: {  	[sflag:s5] =	ssyncset.done $0x0;
	s14 =	sshll.u32 s12, $0x8  }
0x1e: {  	[sflag:s5] =	ssyncadd.s32 $0xFFFFFF00;
	s13 =	sadd.s32 $0x0, s14  }
0x1f: {  	v0 =	vld.msk [tilespmem:s13+$0x0 ss:$0x1], $0xffff;
	_ =	sdelay $0x4  }
0x20: {  	vm2 =	vgt.s32 v0, $0x0  }
0x21: {  	v0 =	vnsel vm2, $0x0, v0  }
0x22: {  	v0 =	vmin.u32 v0, $0x1869F  }
0x23: {  	v0 =	vshll.u32 v0, $0x4;
	_ =	sdelay $0x2  }
0x24: {  	s12 =	sshll.u32 s12, $0xF  }
0x25: {  	s12 =	sor.u32 $0x200, s12  }
0x26: {  	[tilespmem:s12], [sflag:$0x1] =	stream.indirect_vreg.gather [hbm:s2], $0x80, v0, vm0, $0x38;
	[tilespmem:$0x10200] =	vst v63  }
0x27: {  	s15 =	sadd.s32 $0x10, s14;
	s13 =	sadd.s32 $0x400, s12  }
0x28: {  	[tilespmem:s13], [sflag:$0x1] =	stream.indirect_vreg.gather [hbm:s2], $0x80, v0, vm1, $0x38;
	[tilespmem:$0x10200] =	vst v63  }
0x29: {  	s16 =	simm.s32 $0x80;
	v0 =	vld.msk [tilespmem:s15+$0x0 ss:$0x1], $0xffff;
	s15 =	smov.u32 s12  }
.LBB2_3:
0x2a: {  	p1 =	sne.s32 s16, $0x3C0;
	_ =	sdelay $0x4  }
0x2b: {  	vm2 =	vgt.s32 v0, $0x0  }
0x2c: {  	v0 =	vnsel vm2, $0x0, v0  }
0x2d: {  	v0 =	vmin.u32 v0, $0x1869F  }
0x2e: {  	v0 =	vshll.u32 v0, $0x4;
	_ =	sdelay $0x3  }
.Ltmp3:
0x2f: {  	s17 =	sshra.s32 s16, $0x2;
	s15 =	sadd.s32 $0x800, s15;
	(pc) =	sbr.rel @p1 .LBB2_3-.Ltmp3, $4  }
0x30: {  	[tilespmem:s15], [sflag:$0x1] =	stream.indirect_vreg.gather [hbm:s2], $0x80, v0, vm0, $0x38;
	[tilespmem:$0x10200] =	vst v63  }
0x31: {  	s17 =	sadd.s32 s17, s14;
	s18 =	sadd.s32 $0x400, s15  }
0x32: {  	[tilespmem:s18], [sflag:$0x1] =	stream.indirect_vreg.gather [hbm:s2], $0x80, v0, vm1, $0x38;
	[tilespmem:$0x10200] =	vst v63  }
0x33: {  	s16 =	sadd.s32 $0x40, s16;
	v0 =	vld.msk [tilespmem:s17+$0x0 ss:$0x1], $0xffff  }
0x34: {  	_ =	sdelay $0x3  }
0x35: {  	vm2 =	vgt.s32 v0, $0x0  }
0x36: {  	v0 =	vnsel vm2, $0x0, v0  }
0x37: {  	v0 =	vmin.u32 v0, $0x1869F  }
0x38: {  	v0 =	vshll.u32 v0, $0x4;
	_ =	sdelay $0x3  }
0x39: {  	s14 =	sadd.s32 $0x800, s15  }
0x3a: {  	[tilespmem:s14], [sflag:$0x1] =	stream.indirect_vreg.gather [hbm:s2], $0x80, v0, vm0, $0x38;
	[tilespmem:$0x10200] =	vst v63  }
0x3b: {  	s14 =	sadd.s32 $0x400, s14  }
0x3c: {  	[tilespmem:s14], [sflag:$0x1] =	stream.indirect_vreg.gather [hbm:s2], $0x80, v0, vm1, $0x38;
	[tilespmem:$0x10200] =	vst v63  }
0x3d: {  	s11 =	sshll.u32 s11, $0x4;
	_ =	swait.ge [sflag:s4], $0x8000  }
0x3e: {  	s11 =	sadd.s32 s11, s7;
	[sflag:s4] =	ssyncset.done $0x0  }
0x3f: {  	s15 =	sadd.s32 $0x0, s11;
	s14 =	simm.s32 $0x80;
	[sflag:s4] =	ssyncadd.s32 $0xFFFF8000  }
.LBB2_5:
0x40: {  	[hbm:s15] =	stream.linear.scatter [tilespmem:s12], [sflag:$0x3], $0x400, $0x38;
	[tilespmem:$0x10200] =	vst v63  }
0x41: {  	s15 =	smov.u32 s14;
	s12 =	smov.u32 s13;
	p1 =	sne.s32 s14, $0xF80  }
.Ltmp4:
0x42: {  	s14 =	sadd.s32 $0x80, s14;
	(pc) =	sbr.rel @p1 .LBB2_5-.Ltmp4, $2  }
0x43: {  	_ =	sdelay $0x2  }
0x44: {  	s13 =	sadd.s32 $0x400, s13;
	s15 =	sadd.s32 s15, s11  }
.Ltmp5:
0x45: {  	(pc) =	sbr.rel .LBB2_7-.Ltmp5, $2  }
0x46: {  	_ =	sdelay $0x2  }
0x47: {  	[hbm:s15] =	stream.linear.scatter [tilespmem:s12], [sflag:$0x3], $0x400, $0x38;
	[tilespmem:$0x10200] =	vst v63  }
.LBB2_8:
0x48: {  	_ =	sfence.sel $0x180000  }
0x49: {  	s2 =	simm.s32 $0x2;
	[bflag:$0x0] =	sbarrier.arrive $0xFFFF  }
0x4a: {  	s30 =	simm.s32 $0x3;
	[sflag:s2] =	ssyncpa.u1 $0x1  }
0x4b: {  	s31 =	simm.s32 $0x1;
	[sflag:s30] =	ssyncpa.u1 $0x1  }
0x4c: {  	[sflag:s31] =	ssyncpa.u1 $0x1  }
0x4d: {  	p0 =	sne.s32 s1, $0x0;
	_ =	strace $0x90000047  }
0x4e: {  	s0 =	sadd.s32 @!p0 $0x100000, s0;
	[bflag:$0x2] =	sbarrier.arrive $0xFFFF  }
0x4f: {  	[sflag:s0] =	ssyncadd.tile.s32 @!p0 $0x1;
	_ =	shalt  }
.Lfunc_end2:
_tile_overlayer_lowered:
.L_overlay_start_2:
0x50: {  	(tag) =	ssettag $0x2  }
0x51: {  	s0 =	rddreg [dreg:$0x0];
	s2 =	stileid.u32  }
0x52: {  	s1 =	rddreg [dreg:$0x1];
	p0 =	sne.s32 s2, $0x0  }
0x53: {  	s3 =	rddreg [dreg:$0x2];
	[bflag:$0x3] =	sbarrier.arrive $0xFFFF;
	s2 =	simm.s32 @!p0 $0x1C01  }
0x54: {  	[timem:s3], [sflag:s2] =	dma.local @!p0 [hbm:s0], s1  }
0x55: {  	s0 =	simm.s32 @!p0 $0x1  }
0x56: {  	_ =	swait.ge @!p0 [sflag:s0], s1  }
0x57: {  	s1 =	ssub.s32 @!p0 $0x0, s1;
	[sflag:s0] =	ssyncset.done @!p0 $0x0  }
0x58: {  	[sflag:s0] =	ssyncadd.s32 @!p0 s1  }
0x59: {  	[bflag:$0x3] =	sbarrier.arrive $0xFFFF  }
0x5a: {  	_ =	shalt  }

// kernel: gather_offload_async_start
scs
__scs_entry_jumppad:
0x0: {  	(pc) =	sbr.rel $0x88, $3  }
0x1: {  	(tag) =	ssettag $0x0;
	lr =	simm.s32 $0x1  }
0x2: {  	[smem:$0x3F93] =	sst lr;
	_ =	strace $0xD0000000  }
0x3: {  	_ = 	snop  }
0x4: {  	_ = 	snop  }
0x5: {  	_ = 	snop  }
0x6: {  	_ = 	snop  }
0x7: {  	_ = 	snop  }
__scs_overlays_trampoline_lowered:
0x8: {  	[smem:$0x3FA2] =	sst s0  }
0x9: {  	[smem:$0x3FA3] =	sst s1  }
0xa: {  	[smem:$0x3FA4] =	sst s2  }
0xb: {  	[smem:$0x3FA5] =	sst s3  }
0xc: {  	[smem:$0x3FA6] =	sst s4  }
0xd: {  	[smem:$0x3FA7] =	sst s5  }
0xe: {  	[smem:$0x3FA8] =	sst s6  }
0xf: {  	[smem:$0x3FA9] =	sst s7  }
0x10: {  	[smem:$0x3FAA] =	sst s8  }
0x11: {  	[smem:$0x3FAB] =	sst s9;
	s0 =	simm.s32 @!p0 $0x0  }
0x12: {  	s1 =	sld [smem:$0x3F91];
	s0 =	simm.s32 @p0 $0x1  }
0x13: {  	[smem:$0x3FAC] =	sst s0;
	s0 =	simm.s32 @!p1 $0x0  }
0x14: {  	s2 =	sld [smem:$0x3F90];
	s0 =	simm.s32 @p1 $0x1  }
0x15: {  	[smem:$0x3FAD] =	sst s0;
	s0 =	simm.s32 @!p2 $0x0  }
0x16: {  	s3 =	sld [smem:$0x3FDB];
	s0 =	simm.s32 @p2 $0x1  }
0x17: {  	s4 =	simm.s32 $0x1BF5;
	[smem:$0x3FAF] =	sst s0  }
0x18: {  	s0 =	sld [smem:$0x3F92];
	_ =	swait.ge [sflag:s4], $0x0  }
0x19: {  	s7 =	sld [smem:$0x3F93]  }
0x1a: {  	s8 =	sadd.s32 $0xFFFFE003, lr  }
0x1b: {  	s9 =	sadd.s32 $0xFFFFFEF7, lr;
	s5 =	simm.s32 $0xFFFFFFFF;
	p2 =	slt.u32 s8, $0xFFFFF086  }
0x1c: {  	p1 =	slt.u32 s9, $0xF7A;
	s5 =	simm.s32 @!p2 $0x0  }
0x1d: {  	s5 =	simm.s32 @p1 $0x1;
	p0 =	seq.s32 s7, s2  }
0x1e: {  	s7 =	smul.u32 @!p0 $0xF7A, s2;
	p2 =	seq.s32 @!p0 s5, $0x0  }
0x1f: {  	s9 =	smul.u32 $0xF7A, s1;
	s8 =	simm.s32 @!p0 $0x1BF5;
	p2 =	por !p2, p0  }
0x20: {  	[sflag:s8] =	ssyncset.s32 @!p0 $0xFFFFF086;
	s6 =	sadd.s32 @!p0 s3, s7;
	s7 =	simm.s32 @!p0 $0x108  }
0x21: {  	s3 =	sadd.s32 s3, s9;
	s6 =	sadd.s32 @!p0 $0x88, s6;
	s7 =	simm.s32 @p2 $0x1082  }
0x22: {  	[simem:s7], [sflag:s8] =	dma.local @!p0 [hbm:s6], $0xF7A  }
0x23: {  	s9 =	sor.u32 $0xD0000000, s2;
	s6 =	simm.s32 $0x108;
	_ =	swait.ge @!p0 [sflag:s8], $0x0  }
0x24: {  	s3 =	sadd.s32 $0x88, s3;
	s6 =	simm.s32 @!p1 $0x1082;
	[sflag:s4] =	ssyncset.s32 $0xFFFFF086  }
0x25: {  	[simem:s6], [sflag:s4] =	dma.local [hbm:s3], $0xF7A  }
0x26: {  	[smem:$0x3F93] =	sst s1;
	(tag) =	ssettag s2;
	_ =	strace s9  }
0x27: {  	s1 =	sld [smem:$0x3FA3]  }
0x28: {  	s2 =	sld [smem:$0x3FA4]  }
0x29: {  	s4 =	sld [smem:$0x3FA6]  }
0x2a: {  	p0 =	seq.s32 s5, $0x0;
	s5 =	sld [smem:$0x3FA7]  }
0x2b: {  	s6 =	sld [smem:$0x3FA8]  }
0x2c: {  	s7 =	sld [smem:$0x3FA9]  }
0x2d: {  	s3 =	simm.s32 $0x108;
	s8 =	sld [smem:$0x3FAA]  }
0x2e: {  	s3 =	simm.s32 @!p0 $0x1082;
	s9 =	sld [smem:$0x3FAB]  }
0x2f: {  	lr =	sadd.s32 s0, s3;
	s0 =	sld [smem:$0x3FA2]  }
0x30: {  	s3 =	sld [smem:$0x3FA5]  }
0x31: {  	[smem:$0x3FAE] =	sst s10  }
0x32: {  	s10 =	sld [smem:$0x3FAC];
	_ =	sdelay $0x3  }
0x33: {  	p0 =	seq.s32 s10, $0x1;
	s10 =	sld [smem:$0x3FAE];
	_ =	sdelay $0x3  }
0x34: {  	[smem:$0x3FAE] =	sst s10  }
0x35: {  	s10 =	sld [smem:$0x3FAD];
	_ =	sdelay $0x3  }
0x36: {  	p1 =	seq.s32 s10, $0x1;
	s10 =	sld [smem:$0x3FAE];
	_ =	sdelay $0x3  }
0x37: {  	[smem:$0x3FAE] =	sst s10  }
0x38: {  	s10 =	sld [smem:$0x3FAF]  }
0x39: {  	_ = 	snop;
	(pc) =	sbr.ind lr, $3  }
0x3a: {  	_ = 	snop  }
0x3b: {  	_ = 	snop  }
0x3c: {  	p2 =	seq.s32 s10, $0x1;
	s10 =	sld [smem:$0x3FAE]  }
0x3d: {  	_ =	shalt  }
0x3e: {  	_ =	shalt  }
0x3f: {  	_ =	shalt  }
0x40: {  	_ =	shalt  }
0x41: {  	_ =	shalt  }
0x42: {  	_ =	shalt  }
0x43: {  	_ =	shalt  }
0x44: {  	_ =	shalt  }
0x45: {  	_ =	shalt  }
0x46: {  	_ =	shalt  }
0x47: {  	_ =	shalt  }
0x48: {  	_ =	shalt  }
0x49: {  	_ =	shalt  }
0x4a: {  	_ =	shalt  }
0x4b: {  	_ =	shalt  }
0x4c: {  	_ =	shalt  }
0x4d: {  	_ =	shalt  }
0x4e: {  	_ =	shalt  }
0x4f: {  	_ =	shalt  }
0x50: {  	_ =	shalt  }
0x51: {  	_ =	shalt  }
0x52: {  	_ =	shalt  }
0x53: {  	_ =	shalt  }
0x54: {  	_ =	shalt  }
0x55: {  	_ =	shalt  }
0x56: {  	_ =	shalt  }
0x57: {  	_ =	shalt  }
0x58: {  	_ =	shalt  }
0x59: {  	_ =	shalt  }
0x5a: {  	_ =	shalt  }
0x5b: {  	_ =	shalt  }
0x5c: {  	_ =	shalt  }
0x5d: {  	_ =	shalt  }
0x5e: {  	_ =	shalt  }
0x5f: {  	_ =	shalt  }
0x60: {  	_ =	shalt  }
0x61: {  	_ =	shalt  }
0x62: {  	_ =	shalt  }
0x63: {  	_ =	shalt  }
0x64: {  	_ =	shalt  }
0x65: {  	_ =	shalt  }
0x66: {  	_ =	shalt  }
0x67: {  	_ =	shalt  }
0x68: {  	_ =	shalt  }
0x69: {  	_ =	shalt  }
0x6a: {  	_ =	shalt  }
0x6b: {  	_ =	shalt  }
0x6c: {  	_ =	shalt  }
0x6d: {  	_ =	shalt  }
0x6e: {  	_ =	shalt  }
0x6f: {  	_ =	shalt  }
0x70: {  	_ =	shalt  }
0x71: {  	_ =	shalt  }
0x72: {  	_ =	shalt  }
0x73: {  	_ =	shalt  }
0x74: {  	_ =	shalt  }
0x75: {  	_ =	shalt  }
0x76: {  	_ =	shalt  }
0x77: {  	_ =	shalt  }
0x78: {  	_ =	shalt  }
0x79: {  	_ =	shalt  }
0x7a: {  	_ =	shalt  }
0x7b: {  	_ =	shalt  }
0x7c: {  	_ =	shalt  }
0x7d: {  	_ =	shalt  }
0x7e: {  	_ =	shalt  }
0x7f: {  	_ =	shalt  }
0x80: {  	_ =	shalt  }
0x81: {  	_ =	shalt  }
0x82: {  	_ =	shalt  }
0x83: {  	_ =	shalt  }
0x84: {  	_ =	shalt  }
0x85: {  	_ =	shalt  }
0x86: {  	_ =	shalt  }
0x87: {  	_ =	shalt  }
.Lfunc_end0:
.L_simem_size_0:
called_computation_lowered:
.L_overlay_start_0:
0x88: {  	s2 =	sld [smem:$0x3FD9]  }
0x89: {  	s3 =	sld [smem:$0x3FFE];
	_ =	sdelay $0x1  }
0x8a: {  	s1 =	srdreg.scid  }
0x8b: {  	s0 =	sand.u32 $0x1, s1  }
0x8c: {  	s17 =	sshll.u32 s0, $0xA;
	s2 =	sadd.s32 s3, s2  }
0x8d: {  	s2 =	sadd.s32 s2, s17  }
0x8e: {  	[smem:$0x3FBA] =	sst s2  }
0x8f: {  	_ = 	snop  }
0x90: {  	s18 =	sld [smem:$0x3FC7]  }
0x91: {  	s4 =	sld [smem:$0x3FD0];
	(tm) =	ssettm $0x1  }
0x92: {  	s19 =	sld [smem:$0x3FFB];
	_ =	sdelay $0x3  }
0x93: {  	_ =	strace s19  }
0x94: {  	s2 =	sld [smem:$0x3FFC];
	_ =	sdelay $0x3  }
0x95: {  	_ =	strace s2  }
0x96: {  	s2 =	sld [smem:$0x3FFD];
	_ =	sdelay $0x3  }
0x97: {  	_ =	strace s2  }
0x98: {  	_ =	strace $0x8FFFFFFF  }
0x99: {  	s20 =	sld [smem:$0x3FDB];
	_ =	sdelay $0x1  }
0x9a: {  	s5 =	simm.s32 $_scs_section_size  }
0x9b: {  	s6 =	simm.s32 $_size__tile_overlayer_lowered;
	s7 =	simm.s32 $_tile_overlayer_lowered  }
0x9c: {  	s8 =	simm.s32 $0x1BFF;
	s21 =	sshll.u32 s7, $0x1;
	s5 =	sadd.s32 s5, s20  }
0x9d: {  	s22 =	simm.s32 $0x0;
	s6 =	sshll.u32 s6, $0x1;
	s7 =	sadd.s32 s21, s5  }
0x9e: {  	[timem:s22], [sflag:s8] =	dma.local [hbm:s7], s6  }
0x9f: {  	_ =	swait.ge [sflag:s8], s6  }
0xa0: {  	s6 =	ssub.s32 $0x0, s6;
	[sflag:s8] =	ssyncset.done $0x0  }
0xa1: {  	[sflag:s8] =	ssyncadd.s32 s6;
	_ =	sdelay $0x1  }
0xa2: {  	s23 =	simm.s32 $0x1B8B  }
0xa3: {  	_ =	swait.ge [sflag:s23], $0x1  }
0xa4: {  	[sflag:s23] =	ssyncset.done $0x0  }
0xa5: {  	[sflag:s23] =	ssyncadd.s32 $0xFFFFFFFF  }
0xa6: {  	s6 =	sld [smem:$0x0]  }
0xa7: {  	s7 =	sand.u32 $0xFFFFFFFE, s1  }
0xa8: {  	p0 =	sne.s32 s1, s7  }
0xa9: {  	s7 =	sshll.u32 @p0 s7, $0xE  }
0xaa: {  	s7 =	sadd.s32 @p0 $0x11B8D, s7;
	s8 =	sshll.u32 @p0 s6, $0x11  }
0xab: {  	s7 =	sor.u32 @p0 s8, s7  }
0xac: {  	[sflag:s7] =	ssyncadd.remote.s32 @p0 $0x1;
	_ =	sdelay $0x1  }
0xad: {  	s7 =	simm.s32 @p0 $0x1B8D  }
0xae: {  	_ =	swait.eq @p0 [sflag:s7], $0x1  }
0xaf: {  	[sflag:s7] =	ssyncadd.s32 @p0 $0xFFFFFFFF  }
0xb0: {  	s8 =	sshll.u32 @!p0 s1, $0xE  }
0xb1: {  	s8 =	sor.u32 @!p0 $0x4000, s8;
	s7 =	simm.s32 @!p0 $0x1B8D  }
0xb2: {  	s6 =	sshll.u32 @!p0 s6, $0x11;
	s8 =	sadd.s32 @!p0 $0x11B8D, s8;
	_ =	swait.eq @!p0 [sflag:s7], $0x1  }
0xb3: {  	s6 =	sor.u32 @!p0 s6, s8;
	[sflag:s7] =	ssyncadd.s32 @!p0 $0xFFFFFFFF  }
0xb4: {  	s25 =	simm.s32 $0x1B8E;
	s24 =	sld [smem:$0x3FFE];
	[sflag:s6] =	ssyncadd.remote.s32 @!p0 $0x1  }
0xb5: {  	s26 =	simm.s32 $execute0_lowered;
	[smem:$0x3FD2] =	sst s25  }
0xb6: {  	s7 =	sshll.u32 s26, $0x1;
	_ =	strace $0x80000049;
	[dreg:$0x1] =	wrdreg $0xFFFFFFFF  }
0xb7: {  	s28 =	simm.s32 $_size_execute0_lowered;
	s5 =	sadd.s32 s5, s7;
	[dreg:$0x0] =	wrdreg $0x0  }
0xb8: {  	s7 =	sshll.u32 s28, $0x1;
	[dreg:$0x2] =	wrdreg s5  }
0xb9: {  	[dreg:$0x3] =	wrdreg s7  }
0xba: {  	[dreg:$0x4] =	wrdreg $0xC0  }
0xbb: {  	_ =	task [dreg:s22], $0x5FFFF  }
0xbc: {  	[dreg:$0x1] =	wrdreg $0xFFFFFFFF  }
0xbd: {  	[dreg:$0x0] =	wrdreg $0x60  }
0xbe: {  	[dreg:$0x2] =	wrdreg s18  }
0xbf: {  	[dreg:$0x3] =	wrdreg s4  }
0xc0: {  	[dreg:$0x4] =	wrdreg s24  }
0xc1: {  	[dreg:$0x5] =	wrdreg $0x9  }
0xc2: {  	_ =	task.clear_ibuf [dreg:s22], $0x6FFFF;
	_ =	strace $0x90000049  }
0xc3: {  	s29 =	simm.s32 $0x9;
	_ =	strace $0x8000004B  }
0xc4: {  	_ =	swait.ge [sflag:s29], $0x1  }
0xc5: {  	[sflag:s29] =	ssyncadd.s32 $0xFFFFFFFF  }
0xc6: {  	_ =	strace $0x9000004B  }
0xc7: {  	_ =	sfence  }
0xc8: {  	s30 =	sld [smem:$0x0];
	_ =	sdelay $0x2  }
0xc9: {  	s31 =	sshll.u32 s1, $0xD;
	s1 =	sshrl.u32 s1, $0x2  }
0xca: {  	s4 =	sand.u32 $0x4000, s31;
	s1 =	sadd.s32 s1, s30  }
0xcb: {  	s0 =	sor.u32 s4, s0;
	s1 =	sshll.u32 s1, $0x11  }
0xcc: {  	s0 =	sor.u32 s1, s0  }
0xcd: {  	s0 =	sadd.s32 $0x8F2B, s0  }
0xce: {  	[sflag:s0] =	ssyncadd.remote.s32 $0x1  }
0xcf: {  	_ =	sfence.sel $0xFFFF  }
0xd0: {  	[dreg:$0x0] =	wrdreg $0xFFFFFFFF;
	(pc) =	sbr.abs _section_cstart, $3  }
0xd1: {  	[dreg:$0x1] =	wrdreg $0xFFFFFFFF  }
0xd2: {  	_ =	task.clear_ibuf [dreg:s22], $0x2FFFF;
	_ =	strace $0x9FFFFFFF  }
0xd3: {  	(tm) =	ssettm $0x7FFFFFFF  }
tec
execute0_lowered:
.L_overlay_start_1:
0x0: {  	(tag) =	ssettag $0x1  }
0x1: {  	s2 =	rddreg [dreg:$0x0]  }
0x2: {  	s8 =	rddreg [dreg:$0x1];
	s0 =	srdreg.scid  }
0x3: {  	s11 =	rddreg [dreg:$0x2];
	s1 =	stileid.u32;
	s5 =	simm.s32 $0x1  }
0x4: {  	s6 =	simm.s32 $0x2;
	s10 =	simm.s32 $0x3;
	s13 =	simm.s32 $0x0  }
0x5: {  	s15 =	simm.s32 $0x0;
	s3 =	sshll.u32 s0, $0x9;
	s0 =	rddreg [dreg:$0x3]  }
0x6: {  	s4 =	sshll.u32 s1, $0xA;
	_ =	strace $0x8000004A;
	s3 =	sand.u32 $0x200, s3  }
0x7: {  	s14 =	simm.s32 $0x0;
	[sflag:s5] =	ssyncpa.u1 $0x0;
	s3 =	sor.u32 s4, s3  }
0x8: {  	s4 =	sadd.s32 $0x1C9E00, s11;
	[sflag:s6] =	ssyncpa.u1 $0x0;
	s7 =	ssub.s32 $0x4000, s3  }
.Ltmp0:
0x9: {  	[sflag:s10] =	ssyncpa.u1 $0x0;
	s9 =	sand.u32 $0x3E00, s7;
	(pc) =	sbr.rel .LBB2_1-.Ltmp0, $4  }
0xa: {  	s31 =	sshrl.u32 s3, $0x3;
	p0 =	sne.s32 s9, $0x0;
	s9 =	simm.s32 $0x1  }
0xb: {  	s10 =	sadd.s32 $0x1D1E00, s11;
	s7 =	sshrl.u32 s7, $0xE;
	s9 =	simm.s32 @!p0 $0x0  }
0xc: {  	s8 =	sadd.s32 s8, s31;
	p0 =	por $0x0, $0x0;
	s7 =	sadd.s32 s9, s7  }
0xd: {  	vm0 =	vmmov $0xffff;
	s9 =	sadd.s32 $0x1CDE00, s11;
	s11 =	sadd.s32 $0x1D5E00, s11;
	s12 =	sadd.s32 $0x1, s7  }
.LBB2_4:
0xe: {  	_ =	sdelay $0x3  }
0xf: {  	[tilespmem:s21], [sflag:$0x1] =	stream.indirect_vreg.gather [hbm4b:s2+s13], $0x1, v0, vm0, $0x4038;
	[tilespmem:$0x8400] =	vst v63  }
0x10: {  	s18 =	sshll.u32 s15, $0x3  }
0x11: {  	s24 =	sand.u32 $0x78, s15;
	s18 =	sand.u32 $0x7FFFFC00, s18  }
0x12: {  	_ =	swait.ge [sflag:s5], $0x4000;
	s15 =	sor.u32 s24, s18  }
0x13: {  	[sflag:s5] =	ssyncset.done $0x0;
	s15 =	sshrl.u32 s15, $0x3  }
0x14: {  	[sflag:s5] =	ssyncadd.s32 $0xFFFFC000;
	s25 =	sadd.s32 s4, s15  }
0x15: {  	[hbm:s25] =	stream.linear.scatter [tilespmem:s17], [sflag:$0x3], $0x1000, $0x38;
	[tilespmem:$0x8400] =	vst v63  }
0x16: {  	s26 =	sadd.s32 $0x1400, s16;
	s28 =	sadd.s32 s15, s9  }
0x17: {  	[hbm:s28] =	stream.linear.scatter [tilespmem:s26], [sflag:$0x3], $0x1000, $0x38;
	[tilespmem:$0x8400] =	vst v63  }
0x18: {  	s29 =	sadd.s32 $0x2400, s16;
	s30 =	sadd.s32 s15, s10  }
0x19: {  	[hbm:s30] =	stream.linear.scatter [tilespmem:s29], [sflag:$0x3], $0x1000, $0x38;
	[tilespmem:$0x8400] =	vst v63  }
0x1a: {  	s31 =	sadd.s32 $0x3400, s16;
	s15 =	sadd.s32 s15, s11  }
0x1b: {  	[hbm:s15] =	stream.linear.scatter [tilespmem:s31], [sflag:$0x3], $0x1000, $0x38;
	[tilespmem:$0x8400] =	vst v63  }
.LBB2_5:
0x1c: {  	p2 =	sne.s32 s14, s12  }
.Ltmp1:
0x1d: {  	p1 =	slt.u32 s14, $0x2;
	(pc) =	sbr.rel @!p2 .LBB2_6-.Ltmp1, $4  }
0x1e: {  	s15 =	simm.s32 @!p1 $0x3  }
0x1f: {  	_ =	swait.ge @!p1 [sflag:s15], $0x4000  }
0x20: {  	s16 =	sadd.s32 $0x1, s14;
	p0 =	por !p0, !p0;
	[sflag:s15] =	ssyncset.done @!p1 $0x0  }
0x21: {  	s14 =	smov.u32 s16;
	[sflag:s15] =	ssyncadd.s32 @!p1 $0xFFFFC000;
	s15 =	smov.u32 s3  }
.LBB2_1:
0x22: {  	p1 =	sge.u32 s14, s7  }
0x23: {  	s16 =	sxor.u32 @!p1 $0xFFFFFFFF, s14  }
0x24: {  	s16 =	sshll.u32 @!p1 s16, $0x9  }
0x25: {  	s31 =	sadd.s32 $0xFFFFFFFF, s14;
	s17 =	simm.s32 @!p1 $0x0;
	s16 =	sand.u32 @!p1 $0x200, s16  }
0x26: {  	[tilespmem:s16], [sflag:$0x2] =	stream.linear.gather @!p1 [hbm4b:s8+s17], $0x200, $0x38;
	[tilespmem:$0x8400] =	vst v63  }
0x27: {  	p1 =	sge.u32 s31, s7  }
.Ltmp2:
0x28: {  	_ = 	snop;
	(pc) =	sbr.rel @p1 .LBB2_5-.Ltmp2, $1  }
0x29: {  	_ =	sdelay $0x3  }
0x2a: {  	s16 =	simm.s32 $0x1;
	_ =	swait.ge [sflag:s6], $0x200  }
0x2b: {  	s16 =	simm.s32 @!p0 $0x0;
	[sflag:s6] =	ssyncset.done $0x0  }
0x2c: {  	s19 =	sshll.u32 s16, $0x9;
	[sflag:s6] =	ssyncadd.s32 $0xFFFFFE00  }
0x2d: {  	v0 =	vld.msk [tilespmem:s19+$0x0 ss:$0x1], $0xffff;
	_ =	sdelay $0x4  }
0x2e: {  	vm1 =	vgt.s32 v0, $0x0  }
0x2f: {  	v0 =	vnsel vm1, $0x0, v0  }
0x30: {  	v0 =	vmin.u32 v0, $0xF423F  }
0x31: {  	v1 =	vshll.u32 v0, $0x3  }
0x32: {  	v0 =	vand.u32 $0x7F, v0;
	v1 =	vand.u32 $0x7FFC00, v1  }
0x33: {  	s22 =	sshll.u32 s14, $0xE;
	v0 =	vor.u32 v0, v1  }
0x34: {  	s18 =	simm.s32 $0x0;
	s16 =	sand.u32 $0x4000, s22  }
0x35: {  	s20 =	sand.u32 $0xC00, s18;
	s17 =	sor.u32 $0x400, s16  }
0x36: {  	s21 =	sand.u32 $0x70, s18;
	(ifvalue) =	ssetifvalue $0x7FFFFFFF;
	s20 =	sadd.s32 s20, s17;
	v1 =	vor.u32 $0x80, v0  }
0x37: {  	(ifvalue) =	ssetifvalue $0x7FFFFFFF;
	s20 =	sadd.s32 s21, s20  }
0x38: {  	[tilespmem:s20], [sflag:$0x1] =	stream.indirect_vreg.gather [hbm4b:s2+s13], $0x1, v0, vm0, $0x4038;
	[tilespmem:$0x8400] =	vst v63  }
0x39: {  	v2 =	vor.u32 $0x100, v0;
	(ifvalue) =	ssetifvalue $0x7FFFFFFF  }
0x3a: {  	s21 =	sadd.s32 $0x80, s20;
	(ifvalue) =	ssetifvalue $0x7FFFFFFF  }
0x3b: {  	[tilespmem:s21], [sflag:$0x1] =	stream.indirect_vreg.gather [hbm4b:s2+s13], $0x1, v1, vm0, $0x4038;
	[tilespmem:$0x8400] =	vst v63  }
0x3c: {  	v1 =	vor.u32 $0x180, v0;
	(ifvalue) =	ssetifvalue $0x7FFFFFFF  }
0x3d: {  	s23 =	sadd.s32 $0x100, s20;
	(ifvalue) =	ssetifvalue $0x7FFFFFFF  }
0x3e: {  	[tilespmem:s23], [sflag:$0x1] =	stream.indirect_vreg.gather [hbm4b:s2+s13], $0x1, v2, vm0, $0x4038;
	[tilespmem:$0x8400] =	vst v63  }
0x3f: {  	v2 =	vor.u32 $0x200, v0;
	(ifvalue) =	ssetifvalue $0x7FFFFFFF  }
0x40: {  	s24 =	sadd.s32 $0x180, s20;
	(ifvalue) =	ssetifvalue $0x7FFFFFFF  }
0x41: {  	[tilespmem:s24], [sflag:$0x1] =	stream.indirect_vreg.gather [hbm4b:s2+s13], $0x1, v1, vm0, $0x4038;
	[tilespmem:$0x8400] =	vst v63  }
0x42: {  	(ifvalue) =	ssetifvalue $0x7FFFFFFF;
	v1 =	vor.u32 $0x280, v0  }
0x43: {  	s25 =	sadd.s32 $0x200, s20;
	(ifvalue) =	ssetifvalue $0x7FFFFFFF  }
0x44: {  	[tilespmem:s25], [sflag:$0x1] =	stream.indirect_vreg.gather [hbm4b:s2+s13], $0x1, v2, vm0, $0x4038;
	[tilespmem:$0x8400] =	vst v63  }
0x45: {  	(ifvalue) =	ssetifvalue $0x7FFFFFFF;
	v2 =	vor.u32 $0x300, v0  }
0x46: {  	s26 =	sadd.s32 $0x280, s20;
	(ifvalue) =	ssetifvalue $0x7FFFFFFF  }
0x47: {  	[tilespmem:s26], [sflag:$0x1] =	stream.indirect_vreg.gather [hbm4b:s2+s13], $0x1, v1, vm0, $0x4038;
	[tilespmem:$0x8400] =	vst v63  }
0x48: {  	(ifvalue) =	ssetifvalue $0x7FFFFFFF;
	v1 =	vor.u32 $0x380, v0  }
0x49: {  	s18 =	sor.u32 s18, s18;
	s28 =	sadd.s32 $0x300, s20;
	(ifvalue) =	ssetifvalue $0x7FFFFFFF  }
0x4a: {  	[tilespmem:s28], [sflag:$0x1] =	stream.indirect_vreg.gather [hbm4b:s2+s13], $0x1, v2, vm0, $0x4038;
	[tilespmem:$0x8400] =	vst v63  }
0x4b: {  	s18 =	sor.u32 $0x380, s18;
	(ifvalue) =	ssetifvalue $0x7FFFFFFF;
	v2 =	vadd.s32 $0x7A1400, v0  }
0x4c: {  	s18 =	sadd.s32 s18, s17;
	(ifvalue) =	ssetifvalue $0x7FFFFFFF  }
0x4d: {  	[tilespmem:s18], [sflag:$0x1] =	stream.indirect_vreg.gather [hbm4b:s2+s13], $0x1, v1, vm0, $0x4038;
	[tilespmem:$0x8400] =	vst v63  }
0x4e: {  	(ifvalue) =	ssetifvalue $0x7FFFFFFF;
	v1 =	vadd.s32 $0x7A1480, v0  }
0x4f: {  	s29 =	sadd.s32 $0x1000, s20;
	(ifvalue) =	ssetifvalue $0x7FFFFFFF  }
0x50: {  	[tilespmem:s29], [sflag:$0x1] =	stream.indirect_vreg.gather [hbm4b:s2+s13], $0x1, v2, vm0, $0x4038;
	[tilespmem:$0x8400] =	vst v63  }
0x51: {  	(ifvalue) =	ssetifvalue $0x7FFFFFFF;
	v2 =	vadd.s32 $0x7A1500, v0  }
0x52: {  	s30 =	sadd.s32 $0x1080, s20;
	(ifvalue) =	ssetifvalue $0x7FFFFFFF  }
0x53: {  	[tilespmem:s30], [sflag:$0x1] =	stream.indirect_vreg.gather [hbm4b:s2+s13], $0x1, v1, vm0, $0x4038;
	[tilespmem:$0x8400] =	vst v63  }
0x54: {  	(ifvalue) =	ssetifvalue $0x7FFFFFFF;
	v1 =	vadd.s32 $0x7A1580, v0  }
0x55: {  	s31 =	sadd.s32 $0x1100, s20;
	(ifvalue) =	ssetifvalue $0x7FFFFFFF  }
0x56: {  	[tilespmem:s31], [sflag:$0x1] =	stream.indirect_vreg.gather [hbm4b:s2+s13], $0x1, v2, vm0, $0x4038;
	[tilespmem:$0x8400] =	vst v63  }
0x57: {  	(ifvalue) =	ssetifvalue $0x7FFFFFFF;
	v2 =	vadd.s32 $0x7A1600, v0  }
0x58: {  	s21 =	sadd.s32 $0x1180, s20;
	(ifvalue) =	ssetifvalue $0x7FFFFFFF  }
0x59: {  	[tilespmem:s21], [sflag:$0x1] =	stream.indirect_vreg.gather [hbm4b:s2+s13], $0x1, v1, vm0, $0x4038;
	[tilespmem:$0x8400] =	vst v63  }
0x5a: {  	(ifvalue) =	ssetifvalue $0x7FFFFFFF;
	v1 =	vadd.s32 $0x7A1680, v0  }
0x5b: {  	s22 =	sadd.s32 $0x1200, s20;
	(ifvalue) =	ssetifvalue $0x7FFFFFFF  }
0x5c: {  	[tilespmem:s22], [sflag:$0x1] =	stream.indirect_vreg.gather [hbm4b:s2+s13], $0x1, v2, vm0, $0x4038;
	[tilespmem:$0x8400] =	vst v63  }
0x5d: {  	(ifvalue) =	ssetifvalue $0x7FFFFFFF;
	v2 =	vadd.s32 $0x7A1700, v0  }
0x5e: {  	s23 =	sadd.s32 $0x1280, s20;
	(ifvalue) =	ssetifvalue $0x7FFFFFFF  }
0x5f: {  	[tilespmem:s23], [sflag:$0x1] =	stream.indirect_vreg.gather [hbm4b:s2+s13], $0x1, v1, vm0, $0x4038;
	[tilespmem:$0x8400] =	vst v63  }
0x60: {  	(ifvalue) =	ssetifvalue $0x7FFFFFFF;
	v1 =	vadd.s32 $0x7A1780, v0  }
0x61: {  	s24 =	sadd.s32 $0x1300, s20;
	(ifvalue) =	ssetifvalue $0x7FFFFFFF  }
0x62: {  	[tilespmem:s24], [sflag:$0x1] =	stream.indirect_vreg.gather [hbm4b:s2+s13], $0x1, v2, vm0, $0x4038;
	[tilespmem:$0x8400] =	vst v63  }
0x63: {  	(ifvalue) =	ssetifvalue $0x7FFFFFFF;
	v2 =	vadd.s32 $0xF42800, v0  }
0x64: {  	s25 =	sadd.s32 $0x1380, s20;
	(ifvalue) =	ssetifvalue $0x7FFFFFFF  }
0x65: {  	[tilespmem:s25], [sflag:$0x1] =	stream.indirect_vreg.gather [hbm4b:s2+s13], $0x1, v1, vm0, $0x4038;
	[tilespmem:$0x8400] =	vst v63  }
0x66: {  	(ifvalue) =	ssetifvalue $0x7FFFFFFF;
	v1 =	vadd.s32 $0xF42880, v0  }
0x67: {  	s26 =	sadd.s32 $0x2000, s20;
	(ifvalue) =	ssetifvalue $0x7FFFFFFF  }
0x68: {  	[tilespmem:s26], [sflag:$0x1] =	stream.indirect_vreg.gather [hbm4b:s2+s13], $0x1, v2, vm0, $0x4038;
	[tilespmem:$0x8400] =	vst v63  }
0x69: {  	(ifvalue) =	ssetifvalue $0x7FFFFFFF;
	v2 =	vadd.s32 $0xF42900, v0  }
0x6a: {  	s28 =	sadd.s32 $0x2080, s20;
	(ifvalue) =	ssetifvalue $0x7FFFFFFF  }
0x6b: {  	[tilespmem:s28], [sflag:$0x1] =	stream.indirect_vreg.gather [hbm4b:s2+s13], $0x1, v1, vm0, $0x4038;
	[tilespmem:$0x8400] =	vst v63  }
0x6c: {  	(ifvalue) =	ssetifvalue $0x7FFFFFFF;
	v1 =	vadd.s32 $0xF42980, v0  }
0x6d: {  	s29 =	sadd.s32 $0x2100, s20;
	(ifvalue) =	ssetifvalue $0x7FFFFFFF  }
0x6e: {  	[tilespmem:s29], [sflag:$0x1] =	stream.indirect_vreg.gather [hbm4b:s2+s13], $0x1, v2, vm0, $0x4038;
	[tilespmem:$0x8400] =	vst v63  }
0x6f: {  	(ifvalue) =	ssetifvalue $0x7FFFFFFF;
	v2 =	vadd.s32 $0xF42A00, v0  }
0x70: {  	s30 =	sadd.s32 $0x2180, s20;
	(ifvalue) =	ssetifvalue $0x7FFFFFFF  }
0x71: {  	[tilespmem:s30], [sflag:$0x1] =	stream.indirect_vreg.gather [hbm4b:s2+s13], $0x1, v1, vm0, $0x4038;
	[tilespmem:$0x8400] =	vst v63  }
0x72: {  	(ifvalue) =	ssetifvalue $0x7FFFFFFF;
	v1 =	vadd.s32 $0xF42A80, v0  }
0x73: {  	s31 =	sadd.s32 $0x2200, s20;
	(ifvalue) =	ssetifvalue $0x7FFFFFFF  }
0x74: {  	[tilespmem:s31], [sflag:$0x1] =	stream.indirect_vreg.gather [hbm4b:s2+s13], $0x1, v2, vm0, $0x4038;
	[tilespmem:$0x8400] =	vst v63  }
0x75: {  	(ifvalue) =	ssetifvalue $0x7FFFFFFF;
	v2 =	vadd.s32 $0xF42B00, v0  }
0x76: {  	s21 =	sadd.s32 $0x2280, s20;
	(ifvalue) =	ssetifvalue $0x7FFFFFFF  }
0x77: {  	[tilespmem:s21], [sflag:$0x1] =	stream.indirect_vreg.gather [hbm4b:s2+s13], $0x1, v1, vm0, $0x4038;
	[tilespmem:$0x8400] =	vst v63  }
0x78: {  	(ifvalue) =	ssetifvalue $0x7FFFFFFF;
	v1 =	vadd.s32 $0xF42B80, v0  }
0x79: {  	s22 =	sadd.s32 $0x2300, s20;
	(ifvalue) =	ssetifvalue $0x7FFFFFFF  }
0x7a: {  	[tilespmem:s22], [sflag:$0x1] =	stream.indirect_vreg.gather [hbm4b:s2+s13], $0x1, v2, vm0, $0x4038;
	[tilespmem:$0x8400] =	vst v63  }
0x7b: {  	(ifvalue) =	ssetifvalue $0x7FFFFFFF;
	v2 =	vadd.s32 $0x16E3C00, v0  }
0x7c: {  	s23 =	sadd.s32 $0x2380, s20;
	(ifvalue) =	ssetifvalue $0x7FFFFFFF  }
0x7d: {  	[tilespmem:s23], [sflag:$0x1] =	stream.indirect_vreg.gather [hbm4b:s2+s13], $0x1, v1, vm0, $0x4038;
	[tilespmem:$0x8400] =	vst v63  }
0x7e: {  	(ifvalue) =	ssetifvalue $0x7FFFFFFF;
	v1 =	vadd.s32 $0x16E3C80, v0  }
0x7f: {  	s24 =	sadd.s32 $0x3000, s20;
	(ifvalue) =	ssetifvalue $0x7FFFFFFF  }
0x80: {  	[tilespmem:s24], [sflag:$0x1] =	stream.indirect_vreg.gather [hbm4b:s2+s13], $0x1, v2, vm0, $0x4038;
	[tilespmem:$0x8400] =	vst v63  }
0x81: {  	(ifvalue) =	ssetifvalue $0x7FFFFFFF;
	v2 =	vadd.s32 $0x16E3D00, v0  }
0x82: {  	s25 =	sadd.s32 $0x3080, s20;
	(ifvalue) =	ssetifvalue $0x7FFFFFFF  }
0x83: {  	[tilespmem:s25], [sflag:$0x1] =	stream.indirect_vreg.gather [hbm4b:s2+s13], $0x1, v1, vm0, $0x4038;
	[tilespmem:$0x8400] =	vst v63  }
0x84: {  	(ifvalue) =	ssetifvalue $0x7FFFFFFF;
	v1 =	vadd.s32 $0x16E3D80, v0  }
0x85: {  	s26 =	sadd.s32 $0x3100, s20;
	(ifvalue) =	ssetifvalue $0x7FFFFFFF  }
0x86: {  	[tilespmem:s26], [sflag:$0x1] =	stream.indirect_vreg.gather [hbm4b:s2+s13], $0x1, v2, vm0, $0x4038;
	[tilespmem:$0x8400] =	vst v63  }
0x87: {  	(ifvalue) =	ssetifvalue $0x7FFFFFFF;
	v2 =	vadd.s32 $0x16E3E00, v0  }
0x88: {  	s28 =	sadd.s32 $0x3180, s20;
	(ifvalue) =	ssetifvalue $0x7FFFFFFF  }
0x89: {  	[tilespmem:s28], [sflag:$0x1] =	stream.indirect_vreg.gather [hbm4b:s2+s13], $0x1, v1, vm0, $0x4038;
	[tilespmem:$0x8400] =	vst v63  }
0x8a: {  	(ifvalue) =	ssetifvalue $0x7FFFFFFF;
	v1 =	vadd.s32 $0x16E3E80, v0  }
0x8b: {  	s29 =	sadd.s32 $0x3200, s20;
	(ifvalue) =	ssetifvalue $0x7FFFFFFF  }
0x8c: {  	[tilespmem:s29], [sflag:$0x1] =	stream.indirect_vreg.gather [hbm4b:s2+s13], $0x1, v2, vm0, $0x4038;
	[tilespmem:$0x8400] =	vst v63  }
0x8d: {  	(ifvalue) =	ssetifvalue $0x7FFFFFFF;
	v2 =	vadd.s32 $0x16E3F00, v0  }
0x8e: {  	s30 =	sadd.s32 $0x3280, s20;
	(ifvalue) =	ssetifvalue $0x7FFFFFFF  }
0x8f: {  	[tilespmem:s30], [sflag:$0x1] =	stream.indirect_vreg.gather [hbm4b:s2+s13], $0x1, v1, vm0, $0x4038;
	[tilespmem:$0x8400] =	vst v63  }
0x90: {  	v0 =	vadd.s32 $0x16E3F80, v0;
	(ifvalue) =	ssetifvalue $0x7FFFFFFF  }
0x91: {  	s31 =	sadd.s32 $0x3300, s20;
	(ifvalue) =	ssetifvalue $0x7FFFFFFF  }
0x92: {  	[tilespmem:s31], [sflag:$0x1] =	stream.indirect_vreg.gather [hbm4b:s2+s13], $0x1, v2, vm0, $0x4038;
	[tilespmem:$0x8400] =	vst v63  }
0x93: {  	s19 =	sadd.s32 $0x10, s19;
	s18 =	simm.s32 $0x10;
	(ifvalue) =	ssetifvalue $0x7FFFFFFF  }
0x94: {  	s21 =	sadd.s32 $0x3380, s20;
	s20 =	simm.s32 $0x80;
	(ifvalue) =	ssetifvalue $0x7FFFFFFF  }
.LBB2_3:
0x95: {  	[tilespmem:s21], [sflag:$0x1] =	stream.indirect_vreg.gather [hbm4b:s2+s13], $0x1, v0, vm0, $0x4038;
	[tilespmem:$0x8400] =	vst v63  }
0x96: {  	p1 =	sne.s32 s18, $0x1F0;
	s22 =	smov.u32 s18;
	s18 =	sadd.s32 $0x10, s18;
	v0 =	vld.msk [tilespmem:s19+$0x0 ss:$0x1], $0xffff  }
0x97: {  	(ifvalue) =	ssetifvalue $0x7FFFFFFF;
	_ =	sdelay $0x4  }
0x98: {  	vm1 =	vgt.s32 v0, $0x0  }
0x99: {  	v0 =	vnsel vm1, $0x0, v0  }
0x9a: {  	v0 =	vmin.u32 v0, $0xF423F  }
0x9b: {  	v1 =	vshll.u32 v0, $0x3  }
0x9c: {  	v0 =	vand.u32 $0x7F, v0;
	v1 =	vand.u32 $0x7FFC00, v1  }
0x9d: {  	v0 =	vor.u32 v0, v1;
	_ =	sdelay $0x1  }
0x9e: {  	s21 =	sand.u32 $0xC00, s20  }
0x9f: {  	s23 =	sand.u32 $0x70, s22;
	s21 =	sadd.s32 s21, s17;
	v1 =	vor.u32 $0x80, v0  }
0xa0: {  	s21 =	sadd.s32 s23, s21;
	(ifvalue) =	ssetifvalue $0x7FFFFFFF  }
0xa1: {  	[tilespmem:s21], [sflag:$0x1] =	stream.indirect_vreg.gather [hbm4b:s2+s13], $0x1, v0, vm0, $0x4038;
	[tilespmem:$0x8400] =	vst v63  }
0xa2: {  	v2 =	vor.u32 $0x100, v0;
	(ifvalue) =	ssetifvalue $0x7FFFFFFF  }
0xa3: {  	s23 =	sadd.s32 $0x80, s21;
	(ifvalue) =	ssetifvalue $0x7FFFFFFF  }
0xa4: {  	[tilespmem:s23], [sflag:$0x1] =	stream.indirect_vreg.gather [hbm4b:s2+s13], $0x1, v1, vm0, $0x4038;
	[tilespmem:$0x8400] =	vst v63  }
0xa5: {  	v1 =	vor.u32 $0x180, v0;
	(ifvalue) =	ssetifvalue $0x7FFFFFFF  }
0xa6: {  	s23 =	sadd.s32 $0x100, s21;
	(ifvalue) =	ssetifvalue $0x7FFFFFFF  }
0xa7: {  	[tilespmem:s23], [sflag:$0x1] =	stream.indirect_vreg.gather [hbm4b:s2+s13], $0x1, v2, vm0, $0x4038;
	[tilespmem:$0x8400] =	vst v63  }
0xa8: {  	v2 =	vor.u32 $0x200, v0;
	(ifvalue) =	ssetifvalue $0x7FFFFFFF  }
0xa9: {  	s23 =	sadd.s32 $0x180, s21;
	(ifvalue) =	ssetifvalue $0x7FFFFFFF  }
0xaa: {  	[tilespmem:s23], [sflag:$0x1] =	stream.indirect_vreg.gather [hbm4b:s2+s13], $0x1, v1, vm0, $0x4038;
	[tilespmem:$0x8400] =	vst v63  }
0xab: {  	v1 =	vor.u32 $0x280, v0;
	(ifvalue) =	ssetifvalue $0x7FFFFFFF  }
0xac: {  	s23 =	sadd.s32 $0x200, s21;
	(ifvalue) =	ssetifvalue $0x7FFFFFFF  }
0xad: {  	[tilespmem:s23], [sflag:$0x1] =	stream.indirect_vreg.gather [hbm4b:s2+s13], $0x1, v2, vm0, $0x4038;
	[tilespmem:$0x8400] =	vst v63  }
0xae: {  	v2 =	vor.u32 $0x300, v0;
	(ifvalue) =	ssetifvalue $0x7FFFFFFF  }
0xaf: {  	s23 =	sadd.s32 $0x280, s21;
	(ifvalue) =	ssetifvalue $0x7FFFFFFF  }
0xb0: {  	[tilespmem:s23], [sflag:$0x1] =	stream.indirect_vreg.gather [hbm4b:s2+s13], $0x1, v1, vm0, $0x4038;
	[tilespmem:$0x8400] =	vst v63  }
0xb1: {  	v1 =	vor.u32 $0x380, v0;
	(ifvalue) =	ssetifvalue $0x7FFFFFFF  }
0xb2: {  	s22 =	sor.u32 s20, s22;
	s23 =	sadd.s32 $0x300, s21;
	(ifvalue) =	ssetifvalue $0x7FFFFFFF  }
0xb3: {  	[tilespmem:s23], [sflag:$0x1] =	stream.indirect_vreg.gather [hbm4b:s2+s13], $0x1, v2, vm0, $0x4038;
	[tilespmem:$0x8400] =	vst v63  }
0xb4: {  	s22 =	sor.u32 $0x380, s22;
	v2 =	vadd.s32 $0x7A1400, v0;
	(ifvalue) =	ssetifvalue $0x7FFFFFFF  }
0xb5: {  	s22 =	sadd.s32 s22, s17;
	(ifvalue) =	ssetifvalue $0x7FFFFFFF  }
0xb6: {  	[tilespmem:s22], [sflag:$0x1] =	stream.indirect_vreg.gather [hbm4b:s2+s13], $0x1, v1, vm0, $0x4038;
	[tilespmem:$0x8400] =	vst v63  }
0xb7: {  	v1 =	vadd.s32 $0x7A1480, v0;
	(ifvalue) =	ssetifvalue $0x7FFFFFFF  }
0xb8: {  	s22 =	sadd.s32 $0x1000, s21;
	(ifvalue) =	ssetifvalue $0x7FFFFFFF  }
0xb9: {  	[tilespmem:s22], [sflag:$0x1] =	stream.indirect_vreg.gather [hbm4b:s2+s13], $0x1, v2, vm0, $0x4038;
	[tilespmem:$0x8400] =	vst v63  }
0xba: {  	v2 =	vadd.s32 $0x7A1500, v0;
	(ifvalue) =	ssetifvalue $0x7FFFFFFF  }
0xbb: {  	s22 =	sadd.s32 $0x1080, s21;
	(ifvalue) =	ssetifvalue $0x7FFFFFFF  }
0xbc: {  	[tilespmem:s22], [sflag:$0x1] =	stream.indirect_vreg.gather [hbm4b:s2+s13], $0x1, v1, vm0, $0x4038;
	[tilespmem:$0x8400] =	vst v63  }
0xbd: {  	v1 =	vadd.s32 $0x7A1580, v0;
	(ifvalue) =	ssetifvalue $0x7FFFFFFF  }
0xbe: {  	s22 =	sadd.s32 $0x1100, s21;
	(ifvalue) =	ssetifvalue $0x7FFFFFFF  }
0xbf: {  	[tilespmem:s22], [sflag:$0x1] =	stream.indirect_vreg.gather [hbm4b:s2+s13], $0x1, v2, vm0, $0x4038;
	[tilespmem:$0x8400] =	vst v63  }
0xc0: {  	v2 =	vadd.s32 $0x7A1600, v0;
	(ifvalue) =	ssetifvalue $0x7FFFFFFF  }
0xc1: {  	s22 =	sadd.s32 $0x1180, s21;
	(ifvalue) =	ssetifvalue $0x7FFFFFFF  }
0xc2: {  	[tilespmem:s22], [sflag:$0x1] =	stream.indirect_vreg.gather [hbm4b:s2+s13], $0x1, v1, vm0, $0x4038;
	[tilespmem:$0x8400] =	vst v63  }
0xc3: {  	v1 =	vadd.s32 $0x7A1680, v0;
	(ifvalue) =	ssetifvalue $0x7FFFFFFF  }
0xc4: {  	s22 =	sadd.s32 $0x1200, s21;
	(ifvalue) =	ssetifvalue $0x7FFFFFFF  }
0xc5: {  	[tilespmem:s22], [sflag:$0x1] =	stream.indirect_vreg.gather [hbm4b:s2+s13], $0x1, v2, vm0, $0x4038;
	[tilespmem:$0x8400] =	vst v63  }
0xc6: {  	v2 =	vadd.s32 $0x7A1700, v0;
	(ifvalue) =	ssetifvalue $0x7FFFFFFF  }
0xc7: {  	s22 =	sadd.s32 $0x1280, s21;
	(ifvalue) =	ssetifvalue $0x7FFFFFFF  }
0xc8: {  	[tilespmem:s22], [sflag:$0x1] =	stream.indirect_vreg.gather [hbm4b:s2+s13], $0x1, v1, vm0, $0x4038;
	[tilespmem:$0x8400] =	vst v63  }
0xc9: {  	v1 =	vadd.s32 $0x7A1780, v0;
	(ifvalue) =	ssetifvalue $0x7FFFFFFF  }
0xca: {  	s22 =	sadd.s32 $0x1300, s21;
	(ifvalue) =	ssetifvalue $0x7FFFFFFF  }
0xcb: {  	[tilespmem:s22], [sflag:$0x1] =	stream.indirect_vreg.gather [hbm4b:s2+s13], $0x1, v2, vm0, $0x4038;
	[tilespmem:$0x8400] =	vst v63  }
0xcc: {  	v2 =	vadd.s32 $0xF42800, v0;
	(ifvalue) =	ssetifvalue $0x7FFFFFFF  }
0xcd: {  	s22 =	sadd.s32 $0x1380, s21;
	(ifvalue) =	ssetifvalue $0x7FFFFFFF  }
0xce: {  	[tilespmem:s22], [sflag:$0x1] =	stream.indirect_vreg.gather [hbm4b:s2+s13], $0x1, v1, vm0, $0x4038;
	[tilespmem:$0x8400] =	vst v63  }
0xcf: {  	v1 =	vadd.s32 $0xF42880, v0;
	(ifvalue) =	ssetifvalue $0x7FFFFFFF  }
0xd0: {  	s22 =	sadd.s32 $0x2000, s21;
	(ifvalue) =	ssetifvalue $0x7FFFFFFF  }
0xd1: {  	[tilespmem:s22], [sflag:$0x1] =	stream.indirect_vreg.gather [hbm4b:s2+s13], $0x1, v2, vm0, $0x4038;
	[tilespmem:$0x8400] =	vst v63  }
0xd2: {  	v2 =	vadd.s32 $0xF42900, v0;
	(ifvalue) =	ssetifvalue $0x7FFFFFFF  }
0xd3: {  	s22 =	sadd.s32 $0x2080, s21;
	(ifvalue) =	ssetifvalue $0x7FFFFFFF  }
0xd4: {  	[tilespmem:s22], [sflag:$0x1] =	stream.indirect_vreg.gather [hbm4b:s2+s13], $0x1, v1, vm0, $0x4038;
	[tilespmem:$0x8400] =	vst v63  }
0xd5: {  	v1 =	vadd.s32 $0xF42980, v0;
	(ifvalue) =	ssetifvalue $0x7FFFFFFF  }
0xd6: {  	s22 =	sadd.s32 $0x2100, s21;
	(ifvalue) =	ssetifvalue $0x7FFFFFFF  }
0xd7: {  	[tilespmem:s22], [sflag:$0x1] =	stream.indirect_vreg.gather [hbm4b:s2+s13], $0x1, v2, vm0, $0x4038;
	[tilespmem:$0x8400] =	vst v63  }
0xd8: {  	v2 =	vadd.s32 $0xF42A00, v0;
	(ifvalue) =	ssetifvalue $0x7FFFFFFF  }
0xd9: {  	s22 =	sadd.s32 $0x2180, s21;
	(ifvalue) =	ssetifvalue $0x7FFFFFFF  }
0xda: {  	[tilespmem:s22], [sflag:$0x1] =	stream.indirect_vreg.gather [hbm4b:s2+s13], $0x1, v1, vm0, $0x4038;
	[tilespmem:$0x8400] =	vst v63  }
0xdb: {  	v1 =	vadd.s32 $0xF42A80, v0;
	(ifvalue) =	ssetifvalue $0x7FFFFFFF  }
0xdc: {  	s22 =	sadd.s32 $0x2200, s21;
	(ifvalue) =	ssetifvalue $0x7FFFFFFF  }
0xdd: {  	[tilespmem:s22], [sflag:$0x1] =	stream.indirect_vreg.gather [hbm4b:s2+s13], $0x1, v2, vm0, $0x4038;
	[tilespmem:$0x8400] =	vst v63  }
0xde: {  	v2 =	vadd.s32 $0xF42B00, v0;
	(ifvalue) =	ssetifvalue $0x7FFFFFFF  }
0xdf: {  	s22 =	sadd.s32 $0x2280, s21;
	(ifvalue) =	ssetifvalue $0x7FFFFFFF  }
0xe0: {  	[tilespmem:s22], [sflag:$0x1] =	stream.indirect_vreg.gather [hbm4b:s2+s13], $0x1, v1, vm0, $0x4038;
	[tilespmem:$0x8400] =	vst v63  }
0xe1: {  	v1 =	vadd.s32 $0xF42B80, v0;
	(ifvalue) =	ssetifvalue $0x7FFFFFFF  }
0xe2: {  	s22 =	sadd.s32 $0x2300, s21;
	(ifvalue) =	ssetifvalue $0x7FFFFFFF  }
0xe3: {  	[tilespmem:s22], [sflag:$0x1] =	stream.indirect_vreg.gather [hbm4b:s2+s13], $0x1, v2, vm0, $0x4038;
	[tilespmem:$0x8400] =	vst v63  }
0xe4: {  	v2 =	vadd.s32 $0x16E3C00, v0;
	(ifvalue) =	ssetifvalue $0x7FFFFFFF  }
0xe5: {  	s22 =	sadd.s32 $0x2380, s21;
	(ifvalue) =	ssetifvalue $0x7FFFFFFF  }
0xe6: {  	[tilespmem:s22], [sflag:$0x1] =	stream.indirect_vreg.gather [hbm4b:s2+s13], $0x1, v1, vm0, $0x4038;
	[tilespmem:$0x8400] =	vst v63  }
0xe7: {  	v1 =	vadd.s32 $0x16E3C80, v0;
	(ifvalue) =	ssetifvalue $0x7FFFFFFF  }
0xe8: {  	s22 =	sadd.s32 $0x3000, s21;
	(ifvalue) =	ssetifvalue $0x7FFFFFFF  }
0xe9: {  	[tilespmem:s22], [sflag:$0x1] =	stream.indirect_vreg.gather [hbm4b:s2+s13], $0x1, v2, vm0, $0x4038;
	[tilespmem:$0x8400] =	vst v63  }
0xea: {  	v2 =	vadd.s32 $0x16E3D00, v0;
	(ifvalue) =	ssetifvalue $0x7FFFFFFF  }
0xeb: {  	s22 =	sadd.s32 $0x3080, s21;
	(ifvalue) =	ssetifvalue $0x7FFFFFFF  }
0xec: {  	[tilespmem:s22], [sflag:$0x1] =	stream.indirect_vreg.gather [hbm4b:s2+s13], $0x1, v1, vm0, $0x4038;
	[tilespmem:$0x8400] =	vst v63  }
0xed: {  	v1 =	vadd.s32 $0x16E3D80, v0;
	(ifvalue) =	ssetifvalue $0x7FFFFFFF  }
0xee: {  	s22 =	sadd.s32 $0x3100, s21;
	(ifvalue) =	ssetifvalue $0x7FFFFFFF  }
0xef: {  	[tilespmem:s22], [sflag:$0x1] =	stream.indirect_vreg.gather [hbm4b:s2+s13], $0x1, v2, vm0, $0x4038;
	[tilespmem:$0x8400] =	vst v63  }
0xf0: {  	v2 =	vadd.s32 $0x16E3E00, v0;
	(ifvalue) =	ssetifvalue $0x7FFFFFFF  }
0xf1: {  	s22 =	sadd.s32 $0x3180, s21;
	(ifvalue) =	ssetifvalue $0x7FFFFFFF  }
0xf2: {  	[tilespmem:s22], [sflag:$0x1] =	stream.indirect_vreg.gather [hbm4b:s2+s13], $0x1, v1, vm0, $0x4038;
	[tilespmem:$0x8400] =	vst v63  }
0xf3: {  	v1 =	vadd.s32 $0x16E3E80, v0;
	(ifvalue) =	ssetifvalue $0x7FFFFFFF  }
0xf4: {  	s22 =	sadd.s32 $0x3200, s21;
	(ifvalue) =	ssetifvalue $0x7FFFFFFF  }
0xf5: {  	[tilespmem:s22], [sflag:$0x1] =	stream.indirect_vreg.gather [hbm4b:s2+s13], $0x1, v2, vm0, $0x4038;
	[tilespmem:$0x8400] =	vst v63  }
0xf6: {  	v2 =	vadd.s32 $0x16E3F00, v0;
	(ifvalue) =	ssetifvalue $0x7FFFFFFF  }
0xf7: {  	s22 =	sadd.s32 $0x3280, s21;
	(ifvalue) =	ssetifvalue $0x7FFFFFFF  }
0xf8: {  	[tilespmem:s22], [sflag:$0x1] =	stream.indirect_vreg.gather [hbm4b:s2+s13], $0x1, v1, vm0, $0x4038;
	[tilespmem:$0x8400] =	vst v63  }
.Ltmp3:
0xf9: {  	v0 =	vadd.s32 $0x16E3F80, v0;
	(ifvalue) =	ssetifvalue $0x7FFFFFFF;
	(pc) =	sbr.rel @p1 .LBB2_3-.Ltmp3, $4  }
0xfa: {  	s22 =	sadd.s32 $0x3300, s21;
	(ifvalue) =	ssetifvalue $0x7FFFFFFF  }
0xfb: {  	[tilespmem:s22], [sflag:$0x1] =	stream.indirect_vreg.gather [hbm4b:s2+s13], $0x1, v2, vm0, $0x4038;
	[tilespmem:$0x8400] =	vst v63  }
0xfc: {  	s19 =	sadd.s32 $0x10, s19;
	(ifvalue) =	ssetifvalue $0x7FFFFFFF  }
0xfd: {  	s20 =	sadd.s32 $0x80, s20;
	s21 =	sadd.s32 $0x3380, s21;
	(ifvalue) =	ssetifvalue $0x7FFFFFFF  }
.Ltmp4:
0xfe: {  	_ = 	snop;
	(pc) =	sbr.rel .LBB2_4-.Ltmp4, $1  }
0xff: {  	_ =	sdelay $0x3  }
.LBB2_6:
0x100: {  	_ =	sfence.sel $0x180000  }
0x101: {  	s2 =	simm.s32 $0x2;
	[bflag:$0x0] =	sbarrier.arrive $0xFFFF  }
0x102: {  	s30 =	simm.s32 $0x3;
	[sflag:s2] =	ssyncpa.u1 $0x1  }
0x103: {  	s31 =	simm.s32 $0x1;
	[sflag:s30] =	ssyncpa.u1 $0x1  }
0x104: {  	[sflag:s31] =	ssyncpa.u1 $0x1  }
0x105: {  	p0 =	sne.s32 s1, $0x0;
	_ =	strace $0x9000004A  }
0x106: {  	s0 =	sadd.s32 @!p0 $0x100000, s0;
	[bflag:$0x2] =	sbarrier.arrive $0xFFFF  }
0x107: {  	[sflag:s0] =	ssyncadd.tile.s32 @!p0 $0x1;
	_ =	shalt  }
.Lfunc_end2:
_tile_overlayer_lowered:
.L_overlay_start_2:
0x108: {  	(tag) =	ssettag $0x2  }
0x109: {  	s0 =	rddreg [dreg:$0x0];
	s2 =	stileid.u32  }
0x10a: {  	s1 =	rddreg [dreg:$0x1];
	p0 =	sne.s32 s2, $0x0  }
0x10b: {  	s3 =	rddreg [dreg:$0x2];
	[bflag:$0x3] =	sbarrier.arrive $0xFFFF;
	s2 =	simm.s32 @!p0 $0x1C01  }
0x10c: {  	[timem:s3], [sflag:s2] =	dma.local @!p0 [hbm:s0], s1  }
0x10d: {  	s0 =	simm.s32 @!p0 $0x1  }
0x10e: {  	_ =	swait.ge @!p0 [sflag:s0], s1  }
0x10f: {  	s1 =	ssub.s32 @!p0 $0x0, s1;
	[sflag:s0] =	ssyncset.done @!p0 $0x0  }
0x110: {  	[sflag:s0] =	ssyncadd.s32 @!p0 s1  }
0x111: {  	[bflag:$0x3] =	sbarrier.arrive $0xFFFF  }
0x112: {  	_ =	shalt  }

// kernel: kernel.4.cloned.1.call-start
scs
__scs_entry_jumppad:
0x0: {  	(pc) =	sbr.rel $0x88, $3  }
0x1: {  	(tag) =	ssettag $0x0;
	lr =	simm.s32 $0x1  }
0x2: {  	[smem:$0x3F93] =	sst lr;
	_ =	strace $0xD0000000  }
0x3: {  	_ = 	snop  }
0x4: {  	_ = 	snop  }
0x5: {  	_ = 	snop  }
0x6: {  	_ = 	snop  }
0x7: {  	_ = 	snop  }
__scs_overlays_trampoline_lowered:
0x8: {  	[smem:$0x3FA2] =	sst s0  }
0x9: {  	[smem:$0x3FA3] =	sst s1  }
0xa: {  	[smem:$0x3FA4] =	sst s2  }
0xb: {  	[smem:$0x3FA5] =	sst s3  }
0xc: {  	[smem:$0x3FA6] =	sst s4  }
0xd: {  	[smem:$0x3FA7] =	sst s5  }
0xe: {  	[smem:$0x3FA8] =	sst s6  }
0xf: {  	[smem:$0x3FA9] =	sst s7  }
0x10: {  	[smem:$0x3FAA] =	sst s8  }
0x11: {  	[smem:$0x3FAB] =	sst s9;
	s0 =	simm.s32 @!p0 $0x0  }
0x12: {  	s1 =	sld [smem:$0x3F91];
	s0 =	simm.s32 @p0 $0x1  }
0x13: {  	[smem:$0x3FAC] =	sst s0;
	s0 =	simm.s32 @!p1 $0x0  }
0x14: {  	s2 =	sld [smem:$0x3F90];
	s0 =	simm.s32 @p1 $0x1  }
0x15: {  	[smem:$0x3FAD] =	sst s0;
	s0 =	simm.s32 @!p2 $0x0  }
0x16: {  	s3 =	sld [smem:$0x3FDB];
	s0 =	simm.s32 @p2 $0x1  }
0x17: {  	s4 =	simm.s32 $0x1BF5;
	[smem:$0x3FAF] =	sst s0  }
0x18: {  	s0 =	sld [smem:$0x3F92];
	_ =	swait.ge [sflag:s4], $0x0  }
0x19: {  	s7 =	sld [smem:$0x3F93]  }
0x1a: {  	s8 =	sadd.s32 $0xFFFFE003, lr  }
0x1b: {  	s9 =	sadd.s32 $0xFFFFFEF7, lr;
	s5 =	simm.s32 $0xFFFFFFFF;
	p2 =	slt.u32 s8, $0xFFFFF086  }
0x1c: {  	p1 =	slt.u32 s9, $0xF7A;
	s5 =	simm.s32 @!p2 $0x0  }
0x1d: {  	s5 =	simm.s32 @p1 $0x1;
	p0 =	seq.s32 s7, s2  }
0x1e: {  	s7 =	smul.u32 @!p0 $0xF7A, s2;
	p2 =	seq.s32 @!p0 s5, $0x0  }
0x1f: {  	s9 =	smul.u32 $0xF7A, s1;
	s8 =	simm.s32 @!p0 $0x1BF5;
	p2 =	por !p2, p0  }
0x20: {  	[sflag:s8] =	ssyncset.s32 @!p0 $0xFFFFF086;
	s6 =	sadd.s32 @!p0 s3, s7;
	s7 =	simm.s32 @!p0 $0x108  }
0x21: {  	s3 =	sadd.s32 s3, s9;
	s6 =	sadd.s32 @!p0 $0x88, s6;
	s7 =	simm.s32 @p2 $0x1082  }
0x22: {  	[simem:s7], [sflag:s8] =	dma.local @!p0 [hbm:s6], $0xF7A  }
0x23: {  	s9 =	sor.u32 $0xD0000000, s2;
	s6 =	simm.s32 $0x108;
	_ =	swait.ge @!p0 [sflag:s8], $0x0  }
0x24: {  	s3 =	sadd.s32 $0x88, s3;
	s6 =	simm.s32 @!p1 $0x1082;
	[sflag:s4] =	ssyncset.s32 $0xFFFFF086  }
0x25: {  	[simem:s6], [sflag:s4] =	dma.local [hbm:s3], $0xF7A  }
0x26: {  	[smem:$0x3F93] =	sst s1;
	(tag) =	ssettag s2;
	_ =	strace s9  }
0x27: {  	s1 =	sld [smem:$0x3FA3]  }
0x28: {  	s2 =	sld [smem:$0x3FA4]  }
0x29: {  	s4 =	sld [smem:$0x3FA6]  }
0x2a: {  	p0 =	seq.s32 s5, $0x0;
	s5 =	sld [smem:$0x3FA7]  }
0x2b: {  	s6 =	sld [smem:$0x3FA8]  }
0x2c: {  	s7 =	sld [smem:$0x3FA9]  }
0x2d: {  	s3 =	simm.s32 $0x108;
	s8 =	sld [smem:$0x3FAA]  }
0x2e: {  	s3 =	simm.s32 @!p0 $0x1082;
	s9 =	sld [smem:$0x3FAB]  }
0x2f: {  	lr =	sadd.s32 s0, s3;
	s0 =	sld [smem:$0x3FA2]  }
0x30: {  	s3 =	sld [smem:$0x3FA5]  }
0x31: {  	[smem:$0x3FAE] =	sst s10  }
0x32: {  	s10 =	sld [smem:$0x3FAC];
	_ =	sdelay $0x3  }
0x33: {  	p0 =	seq.s32 s10, $0x1;
	s10 =	sld [smem:$0x3FAE];
	_ =	sdelay $0x3  }
0x34: {  	[smem:$0x3FAE] =	sst s10  }
0x35: {  	s10 =	sld [smem:$0x3FAD];
	_ =	sdelay $0x3  }
0x36: {  	p1 =	seq.s32 s10, $0x1;
	s10 =	sld [smem:$0x3FAE];
	_ =	sdelay $0x3  }
0x37: {  	[smem:$0x3FAE] =	sst s10  }
0x38: {  	s10 =	sld [smem:$0x3FAF]  }
0x39: {  	_ = 	snop;
	(pc) =	sbr.ind lr, $3  }
0x3a: {  	_ = 	snop  }
0x3b: {  	_ = 	snop  }
0x3c: {  	p2 =	seq.s32 s10, $0x1;
	s10 =	sld [smem:$0x3FAE]  }
0x3d: {  	_ =	shalt  }
0x3e: {  	_ =	shalt  }
0x3f: {  	_ =	shalt  }
0x40: {  	_ =	shalt  }
0x41: {  	_ =	shalt  }
0x42: {  	_ =	shalt  }
0x43: {  	_ =	shalt  }
0x44: {  	_ =	shalt  }
0x45: {  	_ =	shalt  }
0x46: {  	_ =	shalt  }
0x47: {  	_ =	shalt  }
0x48: {  	_ =	shalt  }
0x49: {  	_ =	shalt  }
0x4a: {  	_ =	shalt  }
0x4b: {  	_ =	shalt  }
0x4c: {  	_ =	shalt  }
0x4d: {  	_ =	shalt  }
0x4e: {  	_ =	shalt  }
0x4f: {  	_ =	shalt  }
0x50: {  	_ =	shalt  }
0x51: {  	_ =	shalt  }
0x52: {  	_ =	shalt  }
0x53: {  	_ =	shalt  }
0x54: {  	_ =	shalt  }
0x55: {  	_ =	shalt  }
0x56: {  	_ =	shalt  }
0x57: {  	_ =	shalt  }
0x58: {  	_ =	shalt  }
0x59: {  	_ =	shalt  }
0x5a: {  	_ =	shalt  }
0x5b: {  	_ =	shalt  }
0x5c: {  	_ =	shalt  }
0x5d: {  	_ =	shalt  }
0x5e: {  	_ =	shalt  }
0x5f: {  	_ =	shalt  }
0x60: {  	_ =	shalt  }
0x61: {  	_ =	shalt  }
0x62: {  	_ =	shalt  }
0x63: {  	_ =	shalt  }
0x64: {  	_ =	shalt  }
0x65: {  	_ =	shalt  }
0x66: {  	_ =	shalt  }
0x67: {  	_ =	shalt  }
0x68: {  	_ =	shalt  }
0x69: {  	_ =	shalt  }
0x6a: {  	_ =	shalt  }
0x6b: {  	_ =	shalt  }
0x6c: {  	_ =	shalt  }
0x6d: {  	_ =	shalt  }
0x6e: {  	_ =	shalt  }
0x6f: {  	_ =	shalt  }
0x70: {  	_ =	shalt  }
0x71: {  	_ =	shalt  }
0x72: {  	_ =	shalt  }
0x73: {  	_ =	shalt  }
0x74: {  	_ =	shalt  }
0x75: {  	_ =	shalt  }
0x76: {  	_ =	shalt  }
0x77: {  	_ =	shalt  }
0x78: {  	_ =	shalt  }
0x79: {  	_ =	shalt  }
0x7a: {  	_ =	shalt  }
0x7b: {  	_ =	shalt  }
0x7c: {  	_ =	shalt  }
0x7d: {  	_ =	shalt  }
0x7e: {  	_ =	shalt  }
0x7f: {  	_ =	shalt  }
0x80: {  	_ =	shalt  }
0x81: {  	_ =	shalt  }
0x82: {  	_ =	shalt  }
0x83: {  	_ =	shalt  }
0x84: {  	_ =	shalt  }
0x85: {  	_ =	shalt  }
0x86: {  	_ =	shalt  }
0x87: {  	_ =	shalt  }
.Lfunc_end0:
.L_simem_size_0:
called_computation.2_lowered:
.L_overlay_start_0:
0x88: {  	s2 =	sld [smem:$0x3FD9]  }
0x89: {  	s3 =	sld [smem:$0x3FFE];
	_ =	sdelay $0x1  }
0x8a: {  	s1 =	srdreg.scid  }
0x8b: {  	s0 =	sand.u32 $0x1, s1  }
0x8c: {  	s17 =	sshll.u32 s0, $0xA;
	s2 =	sadd.s32 s3, s2  }
0x8d: {  	s2 =	sadd.s32 s2, s17  }
0x8e: {  	[smem:$0x3FBA] =	sst s2  }
0x8f: {  	_ = 	snop  }
0x90: {  	s18 =	sld [smem:$0x3FC9]  }
0x91: {  	s4 =	sld [smem:$0x3FC8]  }
0x92: {  	s5 =	sld [smem:$0x3FC5]  }
0x93: {  	s6 =	sld [smem:$0x3FC4];
	(tm) =	ssettm $0x1  }
0x94: {  	s19 =	sld [smem:$0x3FFB];
	_ =	sdelay $0x3  }
0x95: {  	_ =	strace s19  }
0x96: {  	s2 =	sld [smem:$0x3FFC];
	_ =	sdelay $0x3  }
0x97: {  	_ =	strace s2  }
0x98: {  	s2 =	sld [smem:$0x3FFD];
	_ =	sdelay $0x3  }
0x99: {  	_ =	strace s2  }
0x9a: {  	_ =	strace $0x8FFFFFFF  }
0x9b: {  	s20 =	sld [smem:$0x3FDB];
	_ =	sdelay $0x1  }
0x9c: {  	s7 =	simm.s32 $_scs_section_size  }
0x9d: {  	s8 =	simm.s32 $_size__tile_overlayer_lowered;
	s9 =	simm.s32 $_tile_overlayer_lowered  }
0x9e: {  	s10 =	simm.s32 $0x1BFF;
	s21 =	sshll.u32 s9, $0x1;
	s7 =	sadd.s32 s7, s20  }
0x9f: {  	s22 =	simm.s32 $0x0;
	s8 =	sshll.u32 s8, $0x1;
	s9 =	sadd.s32 s21, s7  }
0xa0: {  	[timem:s22], [sflag:s10] =	dma.local [hbm:s9], s8  }
0xa1: {  	_ =	swait.ge [sflag:s10], s8  }
0xa2: {  	s8 =	ssub.s32 $0x0, s8;
	[sflag:s10] =	ssyncset.done $0x0  }
0xa3: {  	[sflag:s10] =	ssyncadd.s32 s8;
	_ =	sdelay $0x1  }
0xa4: {  	s23 =	simm.s32 $0x1B8B  }
0xa5: {  	_ =	swait.ge [sflag:s23], $0x1  }
0xa6: {  	[sflag:s23] =	ssyncset.done $0x0  }
0xa7: {  	[sflag:s23] =	ssyncadd.s32 $0xFFFFFFFF  }
0xa8: {  	s8 =	sld [smem:$0x0]  }
0xa9: {  	s9 =	sand.u32 $0xFFFFFFFE, s1  }
0xaa: {  	p0 =	sne.s32 s1, s9  }
0xab: {  	s9 =	sshll.u32 @p0 s9, $0xE  }
0xac: {  	s9 =	sadd.s32 @p0 $0x11B8D, s9;
	s10 =	sshll.u32 @p0 s8, $0x11  }
0xad: {  	s9 =	sor.u32 @p0 s10, s9  }
0xae: {  	[sflag:s9] =	ssyncadd.remote.s32 @p0 $0x1;
	_ =	sdelay $0x1  }
0xaf: {  	s9 =	simm.s32 @p0 $0x1B8D  }
0xb0: {  	_ =	swait.eq @p0 [sflag:s9], $0x1  }
0xb1: {  	[sflag:s9] =	ssyncadd.s32 @p0 $0xFFFFFFFF  }
0xb2: {  	s10 =	sshll.u32 @!p0 s1, $0xE  }
0xb3: {  	s10 =	sor.u32 @!p0 $0x4000, s10;
	s9 =	simm.s32 @!p0 $0x1B8D  }
0xb4: {  	s8 =	sshll.u32 @!p0 s8, $0x11;
	s10 =	sadd.s32 @!p0 $0x11B8D, s10;
	_ =	swait.eq @!p0 [sflag:s9], $0x1  }
0xb5: {  	s8 =	sor.u32 @!p0 s8, s10;
	[sflag:s9] =	ssyncadd.s32 @!p0 $0xFFFFFFFF  }
0xb6: {  	s25 =	simm.s32 $0x1B8E;
	s24 =	sld [smem:$0x3FFE];
	[sflag:s8] =	ssyncadd.remote.s32 @!p0 $0x1  }
0xb7: {  	s26 =	simm.s32 $execute0_lowered;
	[smem:$0x3FD2] =	sst s25  }
0xb8: {  	s9 =	sshll.u32 s26, $0x1;
	_ =	strace $0x8000004C;
	[dreg:$0x1] =	wrdreg $0xFFFFFFFF  }
0xb9: {  	s28 =	simm.s32 $_size_execute0_lowered;
	s7 =	sadd.s32 s7, s9;
	[dreg:$0x0] =	wrdreg $0x0  }
0xba: {  	s9 =	sshll.u32 s28, $0x1;
	[dreg:$0x2] =	wrdreg s7  }
0xbb: {  	[dreg:$0x3] =	wrdreg s9  }
0xbc: {  	[dreg:$0x4] =	wrdreg $0xC0  }
0xbd: {  	_ =	task [dreg:s22], $0x5FFFF  }
0xbe: {  	[dreg:$0x1] =	wrdreg $0xFFFFFFFF  }
0xbf: {  	[dreg:$0x0] =	wrdreg $0x60  }
0xc0: {  	[dreg:$0x2] =	wrdreg s18  }
0xc1: {  	[dreg:$0x3] =	wrdreg s4  }
0xc2: {  	[dreg:$0x4] =	wrdreg s5  }
0xc3: {  	[dreg:$0x5] =	wrdreg s6  }
0xc4: {  	[dreg:$0x6] =	wrdreg s24  }
0xc5: {  	[dreg:$0x7] =	wrdreg $0xB  }
0xc6: {  	_ =	task.clear_ibuf [dreg:s22], $0x8FFFF;
	_ =	strace $0x9000004C  }
0xc7: {  	s29 =	simm.s32 $0xB;
	_ =	strace $0x8000004E  }
0xc8: {  	_ =	swait.ge [sflag:s29], $0x1  }
0xc9: {  	[sflag:s29] =	ssyncadd.s32 $0xFFFFFFFF  }
0xca: {  	_ =	strace $0x9000004E  }
0xcb: {  	_ =	sfence  }
0xcc: {  	s30 =	sld [smem:$0x0];
	_ =	sdelay $0x2  }
0xcd: {  	s31 =	sshll.u32 s1, $0xD;
	s1 =	sshrl.u32 s1, $0x2  }
0xce: {  	s4 =	sand.u32 $0x4000, s31;
	s1 =	sadd.s32 s1, s30  }
0xcf: {  	s0 =	sor.u32 s4, s0;
	s1 =	sshll.u32 s1, $0x11  }
0xd0: {  	s0 =	sor.u32 s1, s0  }
0xd1: {  	s0 =	sadd.s32 $0x8F2B, s0  }
0xd2: {  	[sflag:s0] =	ssyncadd.remote.s32 $0x1  }
0xd3: {  	_ =	sfence.sel $0xFFFF  }
0xd4: {  	[dreg:$0x0] =	wrdreg $0xFFFFFFFF;
	(pc) =	sbr.abs _section_cstart, $3  }
0xd5: {  	[dreg:$0x1] =	wrdreg $0xFFFFFFFF  }
0xd6: {  	_ =	task.clear_ibuf [dreg:s22], $0x2FFFF;
	_ =	strace $0x9FFFFFFF  }
0xd7: {  	(tm) =	ssettm $0x7FFFFFFF  }
tec
execute0_lowered:
.L_overlay_start_1:
0x0: {  	(tag) =	ssettag $0x1  }
0x1: {  	s5 =	rddreg [dreg:$0x0]  }
0x2: {  	s7 =	rddreg [dreg:$0x1]  }
0x3: {  	s1 =	rddreg [dreg:$0x2];
	s2 =	srdreg.scid  }
0x4: {  	s3 =	rddreg [dreg:$0x3];
	s0 =	stileid.u32;
	s22 =	sand.u32 $0x1, s2  }
0x5: {  	s17 =	rddreg [dreg:$0x4];
	s6 =	sshll.u32 s0, $0xA;
	s8 =	sshll.u32 s22, $0x9  }
0x6: {  	s4 =	simm.s32 $0x0;
	s2 =	rddreg [dreg:$0x5];
	s16 =	sor.u32 s8, s6  }
0x7: {  	[smem:$0x7FF] =	sst s4;
	s8 =	sshrl.u32 s16, $0x3  }
0x8: {  	_ =	strace $0x8000004D;
	s6 =	sadd.s32 s5, s8;
	s5 =	simm.s32 $0x2  }
0x9: {  	[tilespmem:s4], [sflag:$0x2] =	stream.linear.gather [hbm4b:s6+s4], $0x200, $0x38;
	[tilespmem:$0x10400] =	vst v63  }
0xa: {  	_ =	swait.ge [sflag:s5], $0x200  }
0xb: {  	[sflag:s5] =	ssyncset.done $0x0  }
0xc: {  	s7 =	sadd.s32 s7, s8;
	s8 =	simm.s32 $0x200;
	[sflag:s5] =	ssyncadd.s32 $0xFFFFFE00  }
0xd: {  	[tilespmem:s8], [sflag:$0x2] =	stream.linear.gather [hbm4b:s7+s4], $0x200, $0x38;
	[tilespmem:$0x10400] =	vst v63  }
0xe: {  	_ =	swait.ge [sflag:s5], $0x200  }
0xf: {  	[sflag:s5] =	ssyncset.done $0x0  }
0x10: {  	s9 =	simm.s32 $0x80;
	s10 =	simm.s32 $0x400;
	[sflag:s5] =	ssyncadd.s32 $0xFFFFFE00  }
0x11: {  	[tilespmem:s10], [sflag:$0x1] =	stream.indirect.gather [hbm4b:s1+s9], $0x80, s4, s9, $0xb8;
	[tilespmem:$0x10400] =	vst v63  }
0x12: {  	s11 =	simm.s32 $0x8400  }
0x13: {  	[tilespmem:s11], [sflag:$0x1] =	stream.indirect.gather [hbm4b:s3+s9], $0x80, s8, s9, $0xb8;
	[tilespmem:$0x10400] =	vst v63  }
0x14: {  	s12 =	simm.s32 $0x4400  }
0x15: {  	[tilespmem:s12], [sflag:$0x1] =	stream.indirect.gather [hbm4b:s1+s9], $0x80, s9, s9, $0xb8;
	[tilespmem:$0x10400] =	vst v63  }
0x16: {  	s13 =	simm.s32 $0x280;
	s14 =	simm.s32 $0xC400;
	s15 =	simm.s32 $0x1  }
0x17: {  	[tilespmem:s14], [sflag:$0x1] =	stream.indirect.gather [hbm4b:s3+s9], $0x80, s13, s9, $0xb8;
	[tilespmem:$0x10400] =	vst v63  }
0x18: {  	_ =	swait.ge [sflag:s15], $0x4000  }
0x19: {  	[sflag:s15] =	ssyncset.done $0x0  }
0x1a: {  	[sflag:s15] =	ssyncadd.s32 $0xFFFFC000  }
0x1b: {  	_ =	swait.ge [sflag:s15], $0x4000  }
0x1c: {  	[sflag:s15] =	ssyncset.done $0x0  }
0x1d: {  	[sflag:s15] =	ssyncadd.s32 $0xFFFFC000  }
0x1e: {  	_ =	swait.ge [sflag:s15], $0x4000  }
0x1f: {  	[sflag:s15] =	ssyncset.done $0x0  }
0x20: {  	[sflag:s15] =	ssyncadd.s32 $0xFFFFC000  }
0x21: {  	_ =	swait.ge [sflag:s15], $0x4000  }
0x22: {  	s23 =	sadd.s32 $0x1D9E00, s17;
	s24 =	sshll.u32 s16, $0x4;
	[sflag:s15] =	ssyncset.done $0x0  }
0x23: {  	s16 =	sadd.s32 s23, s24;
	[sflag:s15] =	ssyncadd.s32 $0xFFFFC000  }
0x24: {  	[hbm4b:s16+s4] =	stream.linear.scatter [tilespmem:s10], [sflag:$0x2], $0x8000, $0x38;
	[tilespmem:$0x10400] =	vst v63  }
0x25: {  	_ =	swait.ge [sflag:s5], $0x8000  }
0x26: {  	s25 =	sadd.s32 $0x219E00, s17;
	[sflag:s5] =	ssyncset.done $0x0  }
0x27: {  	s17 =	sadd.s32 s25, s24;
	[sflag:s5] =	ssyncadd.s32 $0xFFFF8000  }
0x28: {  	[hbm4b:s17+s4] =	stream.linear.scatter [tilespmem:s11], [sflag:$0x2], $0x8000, $0x38;
	[tilespmem:$0x10400] =	vst v63  }
0x29: {  	_ =	swait.ge [sflag:s5], $0x8000  }
0x2a: {  	[sflag:s5] =	ssyncset.done $0x0  }
0x2b: {  	s18 =	simm.s32 $0x100;
	[sflag:s5] =	ssyncadd.s32 $0xFFFF8000  }
0x2c: {  	[tilespmem:s10], [sflag:$0x1] =	stream.indirect.gather [hbm4b:s1+s9], $0x80, s18, s9, $0xb8;
	[tilespmem:$0x10400] =	vst v63  }
0x2d: {  	s19 =	simm.s32 $0x300  }
0x2e: {  	[tilespmem:s11], [sflag:$0x1] =	stream.indirect.gather [hbm4b:s3+s9], $0x80, s19, s9, $0xb8;
	[tilespmem:$0x10400] =	vst v63  }
0x2f: {  	s20 =	simm.s32 $0x180  }
0x30: {  	[tilespmem:s12], [sflag:$0x1] =	stream.indirect.gather [hbm4b:s1+s9], $0x80, s20, s9, $0xb8;
	[tilespmem:$0x10400] =	vst v63  }
0x31: {  	s21 =	simm.s32 $0x380  }
0x32: {  	[tilespmem:s14], [sflag:$0x1] =	stream.indirect.gather [hbm4b:s3+s9], $0x80, s21, s9, $0xb8;
	[tilespmem:$0x10400] =	vst v63  }
0x33: {  	_ =	swait.ge [sflag:s15], $0x4000  }
0x34: {  	[sflag:s15] =	ssyncset.done $0x0  }
0x35: {  	[sflag:s15] =	ssyncadd.s32 $0xFFFFC000  }
0x36: {  	_ =	swait.ge [sflag:s15], $0x4000  }
0x37: {  	[sflag:s15] =	ssyncset.done $0x0  }
0x38: {  	[sflag:s15] =	ssyncadd.s32 $0xFFFFC000  }
0x39: {  	_ =	swait.ge [sflag:s15], $0x4000  }
0x3a: {  	[sflag:s15] =	ssyncset.done $0x0  }
0x3b: {  	s26 =	ssub.s32 $0x2, s22;
	[sflag:s15] =	ssyncadd.s32 $0xFFFFC000  }
0x3c: {  	s30 =	sshrl.u32 s26, $0x1;
	_ =	swait.ge [sflag:s15], $0x4000  }
0x3d: {  	s26 =	ssub.s32 s26, s30;
	s24 =	sor.u32 $0x1000, s24;
	[sflag:s15] =	ssyncset.done $0x0  }
0x3e: {  	s31 =	smax.u32 s26, $0x1;
	s22 =	sadd.s32 s23, s24;
	[sflag:s15] =	ssyncadd.s32 $0xFFFFC000  }
0x3f: {  	[hbm4b:s22+s4] =	stream.linear.scatter [tilespmem:s10], [sflag:$0x2], $0x8000, $0x38;
	[tilespmem:$0x10400] =	vst v63  }
0x40: {  	p0 =	sne.s32 s31, $0x1;
	_ =	swait.ge [sflag:s5], $0x8000  }
.Ltmp0:
0x41: {  	[sflag:s5] =	ssyncset.done $0x0;
	(pc) =	sbr.rel @!p0 .LBB2_2-.Ltmp0, $4  }
0x42: {  	s23 =	sadd.s32 s25, s24;
	[sflag:s5] =	ssyncadd.s32 $0xFFFF8000  }
0x43: {  	[hbm4b:s23+s4] =	stream.linear.scatter [tilespmem:s11], [sflag:$0x2], $0x8000, $0x38;
	[tilespmem:$0x10400] =	vst v63  }
0x44: {  	_ =	swait.ge [sflag:s5], $0x8000  }
0x45: {  	s24 =	sadd.s32 $0xFFFFFFFF, s31;
	[sflag:s5] =	ssyncset.done $0x0  }
.LBB2_1:
0x46: {  	p0 =	sne.s32 s24, $0x1;
	s24 =	sadd.s32 $0xFFFFFFFF, s24;
	[sflag:s5] =	ssyncadd.s32 $0xFFFF8000  }
0x47: {  	[tilespmem:s4], [sflag:$0x2] =	stream.linear.gather [hbm4b:s6+s4], $0x200, $0x38;
	[tilespmem:$0x10400] =	vst v63  }
0x48: {  	_ =	swait.ge [sflag:s5], $0x200  }
0x49: {  	[sflag:s5] =	ssyncset.done $0x0  }
0x4a: {  	[sflag:s5] =	ssyncadd.s32 $0xFFFFFE00  }
0x4b: {  	[tilespmem:s8], [sflag:$0x2] =	stream.linear.gather [hbm4b:s7+s4], $0x200, $0x38;
	[tilespmem:$0x10400] =	vst v63  }
0x4c: {  	_ =	swait.ge [sflag:s5], $0x200  }
0x4d: {  	[sflag:s5] =	ssyncset.done $0x0  }
0x4e: {  	[sflag:s5] =	ssyncadd.s32 $0xFFFFFE00  }
0x4f: {  	[tilespmem:s10], [sflag:$0x1] =	stream.indirect.gather [hbm4b:s1+s9], $0x80, s4, s9, $0xb8;
	[tilespmem:$0x10400] =	vst v63  }
0x50: {  	_ = 	snop  }
0x51: {  	[tilespmem:s11], [sflag:$0x1] =	stream.indirect.gather [hbm4b:s3+s9], $0x80, s8, s9, $0xb8;
	[tilespmem:$0x10400] =	vst v63  }
0x52: {  	_ = 	snop  }
0x53: {  	[tilespmem:s12], [sflag:$0x1] =	stream.indirect.gather [hbm4b:s1+s9], $0x80, s9, s9, $0xb8;
	[tilespmem:$0x10400] =	vst v63  }
0x54: {  	_ = 	snop  }
0x55: {  	[tilespmem:s14], [sflag:$0x1] =	stream.indirect.gather [hbm4b:s3+s9], $0x80, s13, s9, $0xb8;
	[tilespmem:$0x10400] =	vst v63  }
0x56: {  	_ =	swait.ge [sflag:s15], $0x4000  }
0x57: {  	[sflag:s15] =	ssyncset.done $0x0  }
0x58: {  	[sflag:s15] =	ssyncadd.s32 $0xFFFFC000  }
0x59: {  	_ =	swait.ge [sflag:s15], $0x4000  }
0x5a: {  	[sflag:s15] =	ssyncset.done $0x0  }
0x5b: {  	[sflag:s15] =	ssyncadd.s32 $0xFFFFC000  }
0x5c: {  	_ =	swait.ge [sflag:s15], $0x4000  }
0x5d: {  	[sflag:s15] =	ssyncset.done $0x0  }
0x5e: {  	[sflag:s15] =	ssyncadd.s32 $0xFFFFC000  }
0x5f: {  	_ =	swait.ge [sflag:s15], $0x4000  }
0x60: {  	[sflag:s15] =	ssyncset.done $0x0  }
0x61: {  	[sflag:s15] =	ssyncadd.s32 $0xFFFFC000  }
0x62: {  	[hbm4b:s16+s4] =	stream.linear.scatter [tilespmem:s10], [sflag:$0x2], $0x8000, $0x38;
	[tilespmem:$0x10400] =	vst v63  }
0x63: {  	_ =	swait.ge [sflag:s5], $0x8000  }
0x64: {  	[sflag:s5] =	ssyncset.done $0x0  }
0x65: {  	[sflag:s5] =	ssyncadd.s32 $0xFFFF8000  }
0x66: {  	[hbm4b:s17+s4] =	stream.linear.scatter [tilespmem:s11], [sflag:$0x2], $0x8000, $0x38;
	[tilespmem:$0x10400] =	vst v63  }
0x67: {  	_ =	swait.ge [sflag:s5], $0x8000  }
0x68: {  	[sflag:s5] =	ssyncset.done $0x0  }
0x69: {  	[sflag:s5] =	ssyncadd.s32 $0xFFFF8000  }
0x6a: {  	[tilespmem:s10], [sflag:$0x1] =	stream.indirect.gather [hbm4b:s1+s9], $0x80, s18, s9, $0xb8;
	[tilespmem:$0x10400] =	vst v63  }
0x6b: {  	_ = 	snop  }
0x6c: {  	[tilespmem:s11], [sflag:$0x1] =	stream.indirect.gather [hbm4b:s3+s9], $0x80, s19, s9, $0xb8;
	[tilespmem:$0x10400] =	vst v63  }
0x6d: {  	_ = 	snop  }
0x6e: {  	[tilespmem:s12], [sflag:$0x1] =	stream.indirect.gather [hbm4b:s1+s9], $0x80, s20, s9, $0xb8;
	[tilespmem:$0x10400] =	vst v63  }
0x6f: {  	_ = 	snop  }
0x70: {  	[tilespmem:s14], [sflag:$0x1] =	stream.indirect.gather [hbm4b:s3+s9], $0x80, s21, s9, $0xb8;
	[tilespmem:$0x10400] =	vst v63  }
0x71: {  	_ =	swait.ge [sflag:s15], $0x4000  }
0x72: {  	[sflag:s15] =	ssyncset.done $0x0  }
0x73: {  	[sflag:s15] =	ssyncadd.s32 $0xFFFFC000  }
0x74: {  	_ =	swait.ge [sflag:s15], $0x4000  }
0x75: {  	[sflag:s15] =	ssyncset.done $0x0  }
0x76: {  	[sflag:s15] =	ssyncadd.s32 $0xFFFFC000  }
0x77: {  	_ =	swait.ge [sflag:s15], $0x4000  }
0x78: {  	[sflag:s15] =	ssyncset.done $0x0  }
0x79: {  	[sflag:s15] =	ssyncadd.s32 $0xFFFFC000  }
0x7a: {  	_ =	swait.ge [sflag:s15], $0x4000  }
0x7b: {  	[sflag:s15] =	ssyncset.done $0x0  }
0x7c: {  	[sflag:s15] =	ssyncadd.s32 $0xFFFFC000  }
0x7d: {  	[hbm4b:s22+s4] =	stream.linear.scatter [tilespmem:s10], [sflag:$0x2], $0x8000, $0x38;
	[tilespmem:$0x10400] =	vst v63  }
0x7e: {  	_ =	swait.ge [sflag:s5], $0x8000  }
.Ltmp1:
0x7f: {  	[sflag:s5] =	ssyncset.done $0x0;
	(pc) =	sbr.rel @p0 .LBB2_1-.Ltmp1, $4  }
0x80: {  	[sflag:s5] =	ssyncadd.s32 $0xFFFF8000  }
0x81: {  	[hbm4b:s23+s4] =	stream.linear.scatter [tilespmem:s11], [sflag:$0x2], $0x8000, $0x38;
	[tilespmem:$0x10400] =	vst v63  }
0x82: {  	_ =	swait.ge [sflag:s5], $0x8000  }
0x83: {  	[sflag:s5] =	ssyncset.done $0x0  }
.LBB2_2:
0x84: {  	[sflag:s5] =	ssyncadd.s32 $0xFFFF8000  }
0x85: {  	_ =	sfence.sel $0x180000  }
0x86: {  	[bflag:$0x0] =	sbarrier.arrive $0xFFFF  }
0x87: {  	p0 =	sne.s32 s0, $0x0;
	_ =	strace $0x9000004D  }
0x88: {  	s0 =	sadd.s32 @!p0 $0x100000, s2;
	[bflag:$0x2] =	sbarrier.arrive $0xFFFF  }
0x89: {  	[sflag:s0] =	ssyncadd.tile.s32 @!p0 $0x1;
	_ =	shalt  }
.Lfunc_end2:
_tile_overlayer_lowered:
.L_overlay_start_2:
0x8a: {  	(tag) =	ssettag $0x2  }
0x8b: {  	s0 =	rddreg [dreg:$0x0];
	s2 =	stileid.u32  }
0x8c: {  	s1 =	rddreg [dreg:$0x1];
	p0 =	sne.s32 s2, $0x0  }
0x8d: {  	s3 =	rddreg [dreg:$0x2];
	[bflag:$0x3] =	sbarrier.arrive $0xFFFF;
	s2 =	simm.s32 @!p0 $0x1C02  }
0x8e: {  	[timem:s3], [sflag:s2] =	dma.local @!p0 [hbm:s0], s1  }
0x8f: {  	s0 =	simm.s32 @!p0 $0x2  }
0x90: {  	_ =	swait.ge @!p0 [sflag:s0], s1  }
0x91: {  	s1 =	ssub.s32 @!p0 $0x0, s1;
	[sflag:s0] =	ssyncset.done @!p0 $0x0  }
0x92: {  	[sflag:s0] =	ssyncadd.s32 @!p0 s1  }
0x93: {  	[bflag:$0x3] =	sbarrier.arrive $0xFFFF  }
0x94: {  	_ =	shalt  }

</sc_bundles>
